<compile_context>
chip_gen: v7x
topology: tpu7x:2x2x1
jax: 0.10.2.dev20260603
libtpu: 0.0.44.dev20260713+nightly
codegen_flags: <defaults>
</compile_context>

<pallas_src>
import functools

import jax
import jax.numpy as jnp
from jax import lax
from jax.experimental import pallas as pl
from jax.experimental.pallas import tpu as pltpu
from jax.experimental.pallas import tpu_sc as plsc

N = 6_400_000
S = 100_000
SPAD = 100_352
W = 8
B = 5_120
NBLK = N // B
NCH = B // 128
NW = 32
ITERS = -(-NBLK // NW)
TSTRIPE = SPAD // 16
ZROWS = TSTRIPE // 4


def _sc_body(qa_hbm, ra_hbm, seg_hbm, zin_hbm, zpav_hbm, out_hbm,
             acc, qv, rv, segv, pav, zv, sem):
    cid = lax.axis_index("c")
    sid = lax.axis_index("s")
    wid = sid * 2 + cid
    tile = sid

    pltpu.sync_copy(zpav_hbm, pav)
    pltpu.sync_copy(zin_hbm, zv)
    for k in range(4):
        pltpu.sync_copy(zv, acc.at[pl.ds(tile * TSTRIPE + k * ZROWS, ZROWS)])
    plsc.subcore_barrier()

    iota = lax.iota(jnp.int32, 16)
    rcol = [iota * 3 + c for c in range(3)]

    def block_body(i, carry):
        b = i * NW + wid

        @pl.when(b < NBLK)
        def _():
            pltpu.sync_copy(qa_hbm.at[b], qv)
            pltpu.sync_copy(ra_hbm.at[b], rv)
            pltpu.sync_copy(seg_hbm.at[b], segv)

            def group(g, c2):
                a0 = g * 16
                q16 = qv[pl.ds(a0, 16)]
                avec = iota + a0
                base3 = a0 * 3
                for c in range(3):
                    rg = plsc.load_gather(rv, [rcol[c] + base3])
                    plsc.store_scatter(pav, [avec, jnp.full((16,), c, jnp.int32)],
                                       q16 * rg)
                return c2

            lax.fori_loop(0, B // 16, group, 0)

            handles = []
            for ch in range(NCH):
                handles.append(pltpu.async_copy(
                    pav.at[pl.ds(ch * 128, 128)],
                    acc.at[segv.at[ch]],
                    sem, add=True))
            for h in handles:
                h.wait()

        return carry

    lax.fori_loop(0, ITERS, block_body, 0)
    plsc.subcore_barrier()

    for k in range(4):
        r0 = tile * TSTRIPE + k * ZROWS
        pltpu.sync_copy(acc.at[pl.ds(r0, ZROWS)], zv)
        pltpu.sync_copy(zv, out_hbm.at[cid, pl.ds(r0, ZROWS)])


def _combine_body(a_ref, b_ref, o_ref):
    o_ref[...] = a_ref[...] + b_ref[...]


def kernel(Qa, Ra, batch_seg):
    seg32 = batch_seg.astype(jnp.int32)
    qa_blk = Qa.reshape(NBLK, B)
    ra_blk = Ra.reshape(NBLK, 3 * B)
    seg_blk = seg32.reshape(NBLK, NCH, 128)
    zin = jnp.zeros((ZROWS, W), jnp.float32)
    zpav = jnp.zeros((B, W), jnp.float32)

    mesh = plsc.VectorSubcoreMesh(core_axis_name="c", subcore_axis_name="s")
    sc = functools.partial(
        pl.kernel,
        mesh=mesh,
        out_type=jax.ShapeDtypeStruct((2, SPAD, W), jnp.float32),
        scratch_types=[
            pltpu.VMEM_SHARED((SPAD, W), jnp.float32),
            pltpu.VMEM((B,), jnp.float32),
            pltpu.VMEM((3 * B,), jnp.float32),
            pltpu.VMEM((NCH, 128), jnp.int32),
            pltpu.VMEM((B, W), jnp.float32),
            pltpu.VMEM((ZROWS, W), jnp.float32),
            pltpu.SemaphoreType.DMA,
        ],
        compiler_params=pltpu.CompilerParams(
            needs_layout_passes=False, use_tc_tiling_on_sc=False),
    )(_sc_body)
    partials = sc(qa_blk, ra_blk, seg_blk, zin, zpav)

    p2 = partials.reshape(2, SPAD * W // 128, 128)
    comb = pl.pallas_call(
        _combine_body,
        out_shape=jax.ShapeDtypeStruct((SPAD * W // 128, 128), jnp.float32),
    )(p2[0], p2[1])
    return comb.reshape(SPAD, W)[:S, :3]

# --- scband reference (transcript-rebuilt; emitter-appended) ---
"""Pipeline reference for scband-atomic-charge2-dipole-layer-74440373175031 (READ-ONLY COPY).

The authoritative reference and input builder live on the scoring server;
editing this copy changes nothing except your own understanding.
"""

import jax, jax.numpy as jnp
import numpy as np

N_ATOMS = 6400000
N_SEG = 100000

def setup_inputs(seed: int = 0) -> dict:
    key = jax.random.key(seed)
    k1, k2, k3 = jax.random.split(key, 3)
    Qa = jax.random.normal(k1, (N_ATOMS,), dtype=jnp.float32)
    Ra = jax.random.normal(k2, (N_ATOMS, 3), dtype=jnp.float32)
    batch_seg = jnp.sort(jax.random.randint(k3, (N_ATOMS,), 0, N_SEG, dtype=jnp.int64))
    return {"Qa": Qa, "Ra": Ra, "batch_seg": batch_seg}

def reference(Qa, Ra, batch_seg):
    # Pa = Qa.unsqueeze(1) * Ra ; M2 = segment_sum(Pa, batch_seg)
    Pa = Qa[:, None] * Ra
    M2 = jax.ops.segment_sum(Pa, batch_seg, num_segments=N_SEG)
    return M2

if __name__ == "__main__":
    import jax
    _d = setup_inputs()
    print(jax.jit(kernel)(*tuple(_d.values())))

</pallas_src>

<mosaic_0001>
#map = affine_map<(d0, d1) -> (0, 0)>
#map1 = affine_map<(d0, d1) -> (0, 0, 0)>
module attributes {stable_mosaic.version = 14 : i64} {
  func.func @_sc_body(%arg0: i32, %arg1: i32, %arg2: memref<1250x5120xf32, #tpu.memory_space<hbm>>, %arg3: memref<1250x15360xf32, #tpu.memory_space<hbm>>, %arg4: memref<1250x40x128xi32, #tpu.memory_space<hbm>>, %arg5: memref<1568x8xf32, #tpu.memory_space<hbm>>, %arg6: memref<5120x8xf32, #tpu.memory_space<hbm>>, %arg7: memref<2x100352x8xf32, #tpu.memory_space<hbm>>, %arg8: memref<100352x8xf32, #tpu.memory_space<vmem_shared>>, %arg9: memref<5120xf32, #tpu.memory_space<vmem>>, %arg10: memref<15360xf32, #tpu.memory_space<vmem>>, %arg11: memref<40x128xi32, #tpu.memory_space<vmem>>, %arg12: memref<5120x8xf32, #tpu.memory_space<vmem>>, %arg13: memref<1568x8xf32, #tpu.memory_space<vmem>>, %arg14: memref<!tpu.dma_semaphore, #tpu.memory_space<semaphore_mem>>) attributes {dimension_semantics = [#tpu.dimension_semantics<core_parallel>, #tpu.dimension_semantics<subcore_parallel>], iteration_bounds = array<i64: 2, 16>, scalar_prefetch = 0 : i64, scratch_operands = 7 : i64, tpu.core_type = #tpu.core_type<sc_vector_subcore>, window_params = [{transform_indices = #map}, {transform_indices = #map}, {transform_indices = #map1}, {transform_indices = #map}, {transform_indices = #map}, {transform_indices = #map1}]} {
    %mul3A = arith.constant 2 : i32
    %mul3A_0 = arith.muli %arg1, %mul3A : i32
    %add3A = arith.addi %mul3A_0, %arg0 : i32
    "tpu.region"() ({
      %run_scoped3A = tpu.sem_alloc : memref<!tpu.dma_semaphore, #tpu.memory_space<semaphore_mem>>
      tpu.enqueue_dma source(%arg6 : memref<5120x8xf32, #tpu.memory_space<hbm>>) target(%arg12 : memref<5120x8xf32, #tpu.memory_space<vmem>>) target_semaphore(%run_scoped3A : memref<!tpu.dma_semaphore, #tpu.memory_space<semaphore_mem>>)
      tpu.wait_dma2 semaphore(%run_scoped3A : memref<!tpu.dma_semaphore, #tpu.memory_space<semaphore_mem>>) src(%arg6 : memref<5120x8xf32, #tpu.memory_space<hbm>>) dst(%arg12 : memref<5120x8xf32, #tpu.memory_space<vmem>>)
      tpu.yield
    }) : () -> ()
    "tpu.region"() ({
      %run_scoped3A = tpu.sem_alloc : memref<!tpu.dma_semaphore, #tpu.memory_space<semaphore_mem>>
      tpu.enqueue_dma source(%arg5 : memref<1568x8xf32, #tpu.memory_space<hbm>>) target(%arg13 : memref<1568x8xf32, #tpu.memory_space<vmem>>) target_semaphore(%run_scoped3A : memref<!tpu.dma_semaphore, #tpu.memory_space<semaphore_mem>>)
      tpu.wait_dma2 semaphore(%run_scoped3A : memref<!tpu.dma_semaphore, #tpu.memory_space<semaphore_mem>>) src(%arg5 : memref<1568x8xf32, #tpu.memory_space<hbm>>) dst(%arg13 : memref<1568x8xf32, #tpu.memory_space<vmem>>)
      tpu.yield
    }) : () -> ()
    %mul3A_1 = arith.constant 6272 : i32
    %mul3A_2 = arith.muli %arg1, %mul3A_1 : i32
    %add3A_3 = arith.constant 0 : i32
    %add3A_4 = arith.addi %mul3A_2, %add3A_3 : i32
    "tpu.region"() ({
      %run_scoped3A = tpu.sem_alloc : memref<!tpu.dma_semaphore, #tpu.memory_space<semaphore_mem>>
      %dma_start3A = arith.constant 0 : i32
      %dma_start3A_57 = tpu.memref_slice %arg8[%add3A_4, %dma_start3A] : memref<100352x8xf32, #tpu.memory_space<vmem_shared>> -> memref<1568x8xf32, #tpu.memory_space<vmem_shared>>
      %dma_start3A_58 = arith.constant 0 : i32
      %dma_start3A_59 = tpu.memref_slice %arg8[%add3A_4, %dma_start3A_58] : memref<100352x8xf32, #tpu.memory_space<vmem_shared>> -> memref<1568x8xf32, #tpu.memory_space<vmem_shared>>
      tpu.enqueue_dma source(%arg13 : memref<1568x8xf32, #tpu.memory_space<vmem>>) target(%dma_start3A_59 : memref<1568x8xf32, #tpu.memory_space<vmem_shared>>) target_semaphore(%run_scoped3A : memref<!tpu.dma_semaphore, #tpu.memory_space<semaphore_mem>>)
      %dma_wait3A = arith.constant 0 : i32
      %dma_wait3A_60 = tpu.memref_slice %arg8[%add3A_4, %dma_wait3A] : memref<100352x8xf32, #tpu.memory_space<vmem_shared>> -> memref<1568x8xf32, #tpu.memory_space<vmem_shared>>
      %dma_wait3A_61 = arith.constant 0 : i32
      %dma_wait3A_62 = tpu.memref_slice %arg8[%add3A_4, %dma_wait3A_61] : memref<100352x8xf32, #tpu.memory_space<vmem_shared>> -> memref<1568x8xf32, #tpu.memory_space<vmem_shared>>
      tpu.wait_dma2 semaphore(%run_scoped3A : memref<!tpu.dma_semaphore, #tpu.memory_space<semaphore_mem>>) src(%arg13 : memref<1568x8xf32, #tpu.memory_space<vmem>>) dst(%dma_wait3A_62 : memref<1568x8xf32, #tpu.memory_space<vmem_shared>>)
      tpu.yield
    }) : () -> ()
    %mul3A_5 = arith.constant 6272 : i32
    %mul3A_6 = arith.muli %arg1, %mul3A_5 : i32
    %add3A_7 = arith.constant 1568 : i32
    %add3A_8 = arith.addi %mul3A_6, %add3A_7 : i32
    "tpu.region"() ({
      %run_scoped3A = tpu.sem_alloc : memref<!tpu.dma_semaphore, #tpu.memory_space<semaphore_mem>>
      %dma_start3A = arith.constant 0 : i32
      %dma_start3A_57 = tpu.memref_slice %arg8[%add3A_8, %dma_start3A] : memref<100352x8xf32, #tpu.memory_space<vmem_shared>> -> memref<1568x8xf32, #tpu.memory_space<vmem_shared>>
      %dma_start3A_58 = arith.constant 0 : i32
      %dma_start3A_59 = tpu.memref_slice %arg8[%add3A_8, %dma_start3A_58] : memref<100352x8xf32, #tpu.memory_space<vmem_shared>> -> memref<1568x8xf32, #tpu.memory_space<vmem_shared>>
      tpu.enqueue_dma source(%arg13 : memref<1568x8xf32, #tpu.memory_space<vmem>>) target(%dma_start3A_59 : memref<1568x8xf32, #tpu.memory_space<vmem_shared>>) target_semaphore(%run_scoped3A : memref<!tpu.dma_semaphore, #tpu.memory_space<semaphore_mem>>)
      %dma_wait3A = arith.constant 0 : i32
      %dma_wait3A_60 = tpu.memref_slice %arg8[%add3A_8, %dma_wait3A] : memref<100352x8xf32, #tpu.memory_space<vmem_shared>> -> memref<1568x8xf32, #tpu.memory_space<vmem_shared>>
      %dma_wait3A_61 = arith.constant 0 : i32
      %dma_wait3A_62 = tpu.memref_slice %arg8[%add3A_8, %dma_wait3A_61] : memref<100352x8xf32, #tpu.memory_space<vmem_shared>> -> memref<1568x8xf32, #tpu.memory_space<vmem_shared>>
      tpu.wait_dma2 semaphore(%run_scoped3A : memref<!tpu.dma_semaphore, #tpu.memory_space<semaphore_mem>>) src(%arg13 : memref<1568x8xf32, #tpu.memory_space<vmem>>) dst(%dma_wait3A_62 : memref<1568x8xf32, #tpu.memory_space<vmem_shared>>)
      tpu.yield
    }) : () -> ()
    %mul3A_9 = arith.constant 6272 : i32
    %mul3A_10 = arith.muli %arg1, %mul3A_9 : i32
    %add3A_11 = arith.constant 3136 : i32
    %add3A_12 = arith.addi %mul3A_10, %add3A_11 : i32
    "tpu.region"() ({
      %run_scoped3A = tpu.sem_alloc : memref<!tpu.dma_semaphore, #tpu.memory_space<semaphore_mem>>
      %dma_start3A = arith.constant 0 : i32
      %dma_start3A_57 = tpu.memref_slice %arg8[%add3A_12, %dma_start3A] : memref<100352x8xf32, #tpu.memory_space<vmem_shared>> -> memref<1568x8xf32, #tpu.memory_space<vmem_shared>>
      %dma_start3A_58 = arith.constant 0 : i32
      %dma_start3A_59 = tpu.memref_slice %arg8[%add3A_12, %dma_start3A_58] : memref<100352x8xf32, #tpu.memory_space<vmem_shared>> -> memref<1568x8xf32, #tpu.memory_space<vmem_shared>>
      tpu.enqueue_dma source(%arg13 : memref<1568x8xf32, #tpu.memory_space<vmem>>) target(%dma_start3A_59 : memref<1568x8xf32, #tpu.memory_space<vmem_shared>>) target_semaphore(%run_scoped3A : memref<!tpu.dma_semaphore, #tpu.memory_space<semaphore_mem>>)
      %dma_wait3A = arith.constant 0 : i32
      %dma_wait3A_60 = tpu.memref_slice %arg8[%add3A_12, %dma_wait3A] : memref<100352x8xf32, #tpu.memory_space<vmem_shared>> -> memref<1568x8xf32, #tpu.memory_space<vmem_shared>>
      %dma_wait3A_61 = arith.constant 0 : i32
      %dma_wait3A_62 = tpu.memref_slice %arg8[%add3A_12, %dma_wait3A_61] : memref<100352x8xf32, #tpu.memory_space<vmem_shared>> -> memref<1568x8xf32, #tpu.memory_space<vmem_shared>>
      tpu.wait_dma2 semaphore(%run_scoped3A : memref<!tpu.dma_semaphore, #tpu.memory_space<semaphore_mem>>) src(%arg13 : memref<1568x8xf32, #tpu.memory_space<vmem>>) dst(%dma_wait3A_62 : memref<1568x8xf32, #tpu.memory_space<vmem_shared>>)
      tpu.yield
    }) : () -> ()
    %mul3A_13 = arith.constant 6272 : i32
    %mul3A_14 = arith.muli %arg1, %mul3A_13 : i32
    %add3A_15 = arith.constant 4704 : i32
    %add3A_16 = arith.addi %mul3A_14, %add3A_15 : i32
    "tpu.region"() ({
      %run_scoped3A = tpu.sem_alloc : memref<!tpu.dma_semaphore, #tpu.memory_space<semaphore_mem>>
      %dma_start3A = arith.constant 0 : i32
      %dma_start3A_57 = tpu.memref_slice %arg8[%add3A_16, %dma_start3A] : memref<100352x8xf32, #tpu.memory_space<vmem_shared>> -> memref<1568x8xf32, #tpu.memory_space<vmem_shared>>
      %dma_start3A_58 = arith.constant 0 : i32
      %dma_start3A_59 = tpu.memref_slice %arg8[%add3A_16, %dma_start3A_58] : memref<100352x8xf32, #tpu.memory_space<vmem_shared>> -> memref<1568x8xf32, #tpu.memory_space<vmem_shared>>
      tpu.enqueue_dma source(%arg13 : memref<1568x8xf32, #tpu.memory_space<vmem>>) target(%dma_start3A_59 : memref<1568x8xf32, #tpu.memory_space<vmem_shared>>) target_semaphore(%run_scoped3A : memref<!tpu.dma_semaphore, #tpu.memory_space<semaphore_mem>>)
      %dma_wait3A = arith.constant 0 : i32
      %dma_wait3A_60 = tpu.memref_slice %arg8[%add3A_16, %dma_wait3A] : memref<100352x8xf32, #tpu.memory_space<vmem_shared>> -> memref<1568x8xf32, #tpu.memory_space<vmem_shared>>
      %dma_wait3A_61 = arith.constant 0 : i32
      %dma_wait3A_62 = tpu.memref_slice %arg8[%add3A_16, %dma_wait3A_61] : memref<100352x8xf32, #tpu.memory_space<vmem_shared>> -> memref<1568x8xf32, #tpu.memory_space<vmem_shared>>
      tpu.wait_dma2 semaphore(%run_scoped3A : memref<!tpu.dma_semaphore, #tpu.memory_space<semaphore_mem>>) src(%arg13 : memref<1568x8xf32, #tpu.memory_space<vmem>>) dst(%dma_wait3A_62 : memref<1568x8xf32, #tpu.memory_space<vmem_shared>>)
      tpu.yield
    }) : () -> ()
    %barrier3A = arith.constant 0 : index
    tpu.barrier barrier_id(%barrier3A)
    %iota3A = tpu.iota {dimensions = array<i32: 0>} : vector<16xi32>
    %mul3A_17 = arith.constant 3 : i32
    %mul3A_18 = vector.broadcast %mul3A_17 : i32 to vector<16xi32>
    %mul3A_19 = arith.muli %iota3A, %mul3A_18 : vector<16xi32>
    %add3A_20 = arith.constant 0 : i32
    %add3A_21 = vector.broadcast %add3A_20 : i32 to vector<16xi32>
    %add3A_22 = arith.addi %mul3A_19, %add3A_21 : vector<16xi32>
    %mul3A_23 = arith.constant 3 : i32
    %mul3A_24 = vector.broadcast %mul3A_23 : i32 to vector<16xi32>
    %mul3A_25 = arith.muli %iota3A, %mul3A_24 : vector<16xi32>
    %add3A_26 = arith.constant 1 : i32
    %add3A_27 = vector.broadcast %add3A_26 : i32 to vector<16xi32>
    %add3A_28 = arith.addi %mul3A_25, %add3A_27 : vector<16xi32>
    %mul3A_29 = arith.constant 3 : i32
    %mul3A_30 = vector.broadcast %mul3A_29 : i32 to vector<16xi32>
    %mul3A_31 = arith.muli %iota3A, %mul3A_30 : vector<16xi32>
    %add3A_32 = arith.constant 2 : i32
    %add3A_33 = vector.broadcast %add3A_32 : i32 to vector<16xi32>
    %add3A_34 = arith.addi %mul3A_31, %add3A_33 : vector<16xi32>
    %scan3A = arith.constant 0 : i32
    %scan3A_35 = arith.constant 0 : i32
    %scan3A_36 = arith.constant 40 : i32
    %scan3A_37 = arith.addi %scan3A_35, %scan3A_36 : i32
    %scan3A_38 = arith.constant 1 : i32
    scf.for %scan3A_57 = %scan3A_35 to %scan3A_37 step %scan3A_38  : i32 {
      %mul3A_58 = arith.constant 32 : i32
      %mul3A_59 = arith.muli %scan3A_57, %mul3A_58 : i32
      %add3A_60 = arith.addi %mul3A_59, %add3A : i32
      %lt3A = arith.constant 1250 : i32
      %lt3A_61 = arith.cmpi slt, %add3A_60, %lt3A : i32
      %convert_element_type3A = arith.extui %lt3A_61 : i1 to i32
      %cond3A = arith.constant 0 : i32
      %cond3A_62 = arith.cmpi ne, %convert_element_type3A, %cond3A : i32
      scf.if %cond3A_62 {
        "tpu.region"() ({
          %run_scoped3A = tpu.sem_alloc : memref<!tpu.dma_semaphore, #tpu.memory_space<semaphore_mem>>
          %dma_start3A_867 = arith.constant 0 : i32
          %dma_start3A_868 = tpu.memref_slice %arg2[%add3A_60, %dma_start3A_867] : memref<1250x5120xf32, #tpu.memory_space<hbm>> -> memref<1x5120xf32, #tpu.memory_space<hbm>>
          %dma_start3A_869 = tpu.memref_squeeze %dma_start3A_868 : memref<1x5120xf32, #tpu.memory_space<hbm>> -> memref<5120xf32, #tpu.memory_space<hbm>>
          %dma_start3A_870 = arith.constant 0 : i32
          %dma_start3A_871 = tpu.memref_slice %arg2[%add3A_60, %dma_start3A_870] : memref<1250x5120xf32, #tpu.memory_space<hbm>> -> memref<1x5120xf32, #tpu.memory_space<hbm>>
          %dma_start3A_872 = tpu.memref_squeeze %dma_start3A_871 : memref<1x5120xf32, #tpu.memory_space<hbm>> -> memref<5120xf32, #tpu.memory_space<hbm>>
          tpu.enqueue_dma source(%dma_start3A_872 : memref<5120xf32, #tpu.memory_space<hbm>>) target(%arg9 : memref<5120xf32, #tpu.memory_space<vmem>>) target_semaphore(%run_scoped3A : memref<!tpu.dma_semaphore, #tpu.memory_space<semaphore_mem>>)
          %dma_wait3A_873 = arith.constant 0 : i32
          %dma_wait3A_874 = tpu.memref_slice %arg2[%add3A_60, %dma_wait3A_873] : memref<1250x5120xf32, #tpu.memory_space<hbm>> -> memref<1x5120xf32, #tpu.memory_space<hbm>>
          %dma_wait3A_875 = tpu.memref_squeeze %dma_wait3A_874 : memref<1x5120xf32, #tpu.memory_space<hbm>> -> memref<5120xf32, #tpu.memory_space<hbm>>
          %dma_wait3A_876 = arith.constant 0 : i32
          %dma_wait3A_877 = tpu.memref_slice %arg2[%add3A_60, %dma_wait3A_876] : memref<1250x5120xf32, #tpu.memory_space<hbm>> -> memref<1x5120xf32, #tpu.memory_space<hbm>>
          %dma_wait3A_878 = tpu.memref_squeeze %dma_wait3A_877 : memref<1x5120xf32, #tpu.memory_space<hbm>> -> memref<5120xf32, #tpu.memory_space<hbm>>
          tpu.wait_dma2 semaphore(%run_scoped3A : memref<!tpu.dma_semaphore, #tpu.memory_space<semaphore_mem>>) src(%dma_wait3A_878 : memref<5120xf32, #tpu.memory_space<hbm>>) dst(%arg9 : memref<5120xf32, #tpu.memory_space<vmem>>)
          tpu.yield
        }) : () -> ()
        "tpu.region"() ({
          %run_scoped3A = tpu.sem_alloc : memref<!tpu.dma_semaphore, #tpu.memory_space<semaphore_mem>>
          %dma_start3A_867 = arith.constant 0 : i32
          %dma_start3A_868 = tpu.memref_slice %arg3[%add3A_60, %dma_start3A_867] : memref<1250x15360xf32, #tpu.memory_space<hbm>> -> memref<1x15360xf32, #tpu.memory_space<hbm>>
          %dma_start3A_869 = tpu.memref_squeeze %dma_start3A_868 : memref<1x15360xf32, #tpu.memory_space<hbm>> -> memref<15360xf32, #tpu.memory_space<hbm>>
          %dma_start3A_870 = arith.constant 0 : i32
          %dma_start3A_871 = tpu.memref_slice %arg3[%add3A_60, %dma_start3A_870] : memref<1250x15360xf32, #tpu.memory_space<hbm>> -> memref<1x15360xf32, #tpu.memory_space<hbm>>
          %dma_start3A_872 = tpu.memref_squeeze %dma_start3A_871 : memref<1x15360xf32, #tpu.memory_space<hbm>> -> memref<15360xf32, #tpu.memory_space<hbm>>
          tpu.enqueue_dma source(%dma_start3A_872 : memref<15360xf32, #tpu.memory_space<hbm>>) target(%arg10 : memref<15360xf32, #tpu.memory_space<vmem>>) target_semaphore(%run_scoped3A : memref<!tpu.dma_semaphore, #tpu.memory_space<semaphore_mem>>)
          %dma_wait3A_873 = arith.constant 0 : i32
          %dma_wait3A_874 = tpu.memref_slice %arg3[%add3A_60, %dma_wait3A_873] : memref<1250x15360xf32, #tpu.memory_space<hbm>> -> memref<1x15360xf32, #tpu.memory_space<hbm>>
          %dma_wait3A_875 = tpu.memref_squeeze %dma_wait3A_874 : memref<1x15360xf32, #tpu.memory_space<hbm>> -> memref<15360xf32, #tpu.memory_space<hbm>>
          %dma_wait3A_876 = arith.constant 0 : i32
          %dma_wait3A_877 = tpu.memref_slice %arg3[%add3A_60, %dma_wait3A_876] : memref<1250x15360xf32, #tpu.memory_space<hbm>> -> memref<1x15360xf32, #tpu.memory_space<hbm>>
          %dma_wait3A_878 = tpu.memref_squeeze %dma_wait3A_877 : memref<1x15360xf32, #tpu.memory_space<hbm>> -> memref<15360xf32, #tpu.memory_space<hbm>>
          tpu.wait_dma2 semaphore(%run_scoped3A : memref<!tpu.dma_semaphore, #tpu.memory_space<semaphore_mem>>) src(%dma_wait3A_878 : memref<15360xf32, #tpu.memory_space<hbm>>) dst(%arg10 : memref<15360xf32, #tpu.memory_space<vmem>>)
          tpu.yield
        }) : () -> ()
        "tpu.region"() ({
          %run_scoped3A = tpu.sem_alloc : memref<!tpu.dma_semaphore, #tpu.memory_space<semaphore_mem>>
          %dma_start3A_867 = arith.constant 0 : i32
          %dma_start3A_868 = arith.constant 0 : i32
          %dma_start3A_869 = tpu.memref_slice %arg4[%add3A_60, %dma_start3A_867, %dma_start3A_868] : memref<1250x40x128xi32, #tpu.memory_space<hbm>> -> memref<1x40x128xi32, #tpu.memory_space<hbm>>
          %dma_start3A_870 = tpu.memref_squeeze %dma_start3A_869 : memref<1x40x128xi32, #tpu.memory_space<hbm>> -> memref<40x128xi32, #tpu.memory_space<hbm>>
          %dma_start3A_871 = arith.constant 0 : i32
          %dma_start3A_872 = arith.constant 0 : i32
          %dma_start3A_873 = tpu.memref_slice %arg4[%add3A_60, %dma_start3A_871, %dma_start3A_872] : memref<1250x40x128xi32, #tpu.memory_space<hbm>> -> memref<1x40x128xi32, #tpu.memory_space<hbm>>
          %dma_start3A_874 = tpu.memref_squeeze %dma_start3A_873 : memref<1x40x128xi32, #tpu.memory_space<hbm>> -> memref<40x128xi32, #tpu.memory_space<hbm>>
          tpu.enqueue_dma source(%dma_start3A_874 : memref<40x128xi32, #tpu.memory_space<hbm>>) target(%arg11 : memref<40x128xi32, #tpu.memory_space<vmem>>) target_semaphore(%run_scoped3A : memref<!tpu.dma_semaphore, #tpu.memory_space<semaphore_mem>>)
          %dma_wait3A_875 = arith.constant 0 : i32
          %dma_wait3A_876 = arith.constant 0 : i32
          %dma_wait3A_877 = tpu.memref_slice %arg4[%add3A_60, %dma_wait3A_875, %dma_wait3A_876] : memref<1250x40x128xi32, #tpu.memory_space<hbm>> -> memref<1x40x128xi32, #tpu.memory_space<hbm>>
          %dma_wait3A_878 = tpu.memref_squeeze %dma_wait3A_877 : memref<1x40x128xi32, #tpu.memory_space<hbm>> -> memref<40x128xi32, #tpu.memory_space<hbm>>
          %dma_wait3A_879 = arith.constant 0 : i32
          %dma_wait3A_880 = arith.constant 0 : i32
          %dma_wait3A_881 = tpu.memref_slice %arg4[%add3A_60, %dma_wait3A_879, %dma_wait3A_880] : memref<1250x40x128xi32, #tpu.memory_space<hbm>> -> memref<1x40x128xi32, #tpu.memory_space<hbm>>
          %dma_wait3A_882 = tpu.memref_squeeze %dma_wait3A_881 : memref<1x40x128xi32, #tpu.memory_space<hbm>> -> memref<40x128xi32, #tpu.memory_space<hbm>>
          tpu.wait_dma2 semaphore(%run_scoped3A : memref<!tpu.dma_semaphore, #tpu.memory_space<semaphore_mem>>) src(%dma_wait3A_882 : memref<40x128xi32, #tpu.memory_space<hbm>>) dst(%arg11 : memref<40x128xi32, #tpu.memory_space<vmem>>)
          tpu.yield
        }) : () -> ()
        %scan3A_63 = arith.constant 0 : i32
        %scan3A_64 = arith.constant 0 : i32
        %scan3A_65 = arith.constant 320 : i32
        %scan3A_66 = arith.addi %scan3A_64, %scan3A_65 : i32
        %scan3A_67 = arith.constant 1 : i32
        scf.for %scan3A_867 = %scan3A_64 to %scan3A_66 step %scan3A_67  : i32 {
          %mul3A_868 = arith.constant 16 : i32
          %mul3A_869 = arith.muli %scan3A_867, %mul3A_868 : i32
          %get3A = arith.index_cast %mul3A_869 : i32 to index
          %get3A_870 = tpu.vector_load %arg9[%get3A] {strides = array<i32>} : memref<5120xf32, #tpu.memory_space<vmem>>, vector<16xf32>,
          %add3A_871 = vector.broadcast %mul3A_869 : i32 to vector<16xi32>
          %add3A_872 = arith.addi %iota3A, %add3A_871 : vector<16xi32>
          %mul3A_873 = arith.constant 3 : i32
          %mul3A_874 = arith.muli %mul3A_869, %mul3A_873 : i32
          %add3A_875 = vector.broadcast %mul3A_874 : i32 to vector<16xi32>
          %add3A_876 = arith.addi %add3A_22, %add3A_875 : vector<16xi32>
          %gather3A = tpu.vector_load_idx %arg10[%add3A_876] : memref<15360xf32, #tpu.memory_space<vmem>>[vector<16xi32>], vector<16xf32>,
          %broadcast_in_dim3A = arith.constant 0 : i32
          %broadcast_in_dim3A_877 = vector.broadcast %broadcast_in_dim3A : i32 to vector<16xi32>
          %mul3A_878 = arith.mulf %get3A_870, %gather3A : vector<16xf32>
          tpu.vector_store_idx %arg12[%add3A_872, %broadcast_in_dim3A_877], %mul3A_878 : memref<5120x8xf32, #tpu.memory_space<vmem>>[vector<16xi32>, vector<16xi32>], vector<16xf32>,
          %add3A_879 = vector.broadcast %mul3A_874 : i32 to vector<16xi32>
          %add3A_880 = arith.addi %add3A_28, %add3A_879 : vector<16xi32>
          %gather3A_881 = tpu.vector_load_idx %arg10[%add3A_880] : memref<15360xf32, #tpu.memory_space<vmem>>[vector<16xi32>], vector<16xf32>,
          %broadcast_in_dim3A_882 = arith.constant 1 : i32
          %broadcast_in_dim3A_883 = vector.broadcast %broadcast_in_dim3A_882 : i32 to vector<16xi32>
          %mul3A_884 = arith.mulf %get3A_870, %gather3A_881 : vector<16xf32>
          tpu.vector_store_idx %arg12[%add3A_872, %broadcast_in_dim3A_883], %mul3A_884 : memref<5120x8xf32, #tpu.memory_space<vmem>>[vector<16xi32>, vector<16xi32>], vector<16xf32>,
          %add3A_885 = vector.broadcast %mul3A_874 : i32 to vector<16xi32>
          %add3A_886 = arith.addi %add3A_34, %add3A_885 : vector<16xi32>
          %gather3A_887 = tpu.vector_load_idx %arg10[%add3A_886] : memref<15360xf32, #tpu.memory_space<vmem>>[vector<16xi32>], vector<16xf32>,
          %broadcast_in_dim3A_888 = arith.constant 2 : i32
          %broadcast_in_dim3A_889 = vector.broadcast %broadcast_in_dim3A_888 : i32 to vector<16xi32>
          %mul3A_890 = arith.mulf %get3A_870, %gather3A_887 : vector<16xf32>
          tpu.vector_store_idx %arg12[%add3A_872, %broadcast_in_dim3A_889], %mul3A_890 : memref<5120x8xf32, #tpu.memory_space<vmem>>[vector<16xi32>, vector<16xi32>], vector<16xf32>,
        }
        %scan3A_68 = arith.constant 320 : i32
        %dma_start3A = arith.constant 0 : i32
        %dma_start3A_69 = arith.constant 0 : i32
        %dma_start3A_70 = arith.constant 0 : i32
        %dma_start3A_71 = tpu.memref_slice %arg12[%dma_start3A_69, %dma_start3A_70] : memref<5120x8xf32, #tpu.memory_space<vmem>> -> memref<128x8xf32, #tpu.memory_space<vmem>>
        %dma_start3A_72 = arith.constant 0 : i32
        %dma_start3A_73 = tpu.memref_slice %arg11[%dma_start3A, %dma_start3A_72] : memref<40x128xi32, #tpu.memory_space<vmem>> -> memref<1x128xi32, #tpu.memory_space<vmem>>
        %dma_start3A_74 = tpu.memref_squeeze %dma_start3A_73 : memref<1x128xi32, #tpu.memory_space<vmem>> -> memref<128xi32, #tpu.memory_space<vmem>>
        %dma_start3A_75 = arith.constant 0 : i32
        %dma_start3A_76 = arith.constant 0 : i32
        %dma_start3A_77 = tpu.memref_slice %arg8[%dma_start3A_75, %dma_start3A_76] : memref<100352x8xf32, #tpu.memory_space<vmem_shared>> -> memref<100352x8xf32, #tpu.memory_space<vmem_shared>>
        tpu.enqueue_indirect_dma source(%dma_start3A_71 : memref<128x8xf32, #tpu.memory_space<vmem>>) target(%dma_start3A_77 : memref<100352x8xf32, #tpu.memory_space<vmem_shared>>) offsets(%dma_start3A_74 : memref<128xi32, #tpu.memory_space<vmem>>) semaphore(%arg14 : memref<!tpu.dma_semaphore, #tpu.memory_space<semaphore_mem>>) {add = true}
        %dma_start3A_78 = arith.constant 1 : i32
        %dma_start3A_79 = arith.constant 128 : i32
        %dma_start3A_80 = arith.constant 0 : i32
        %dma_start3A_81 = tpu.memref_slice %arg12[%dma_start3A_79, %dma_start3A_80] : memref<5120x8xf32, #tpu.memory_space<vmem>> -> memref<128x8xf32, #tpu.memory_space<vmem>>
        %dma_start3A_82 = arith.constant 0 : i32
        %dma_start3A_83 = tpu.memref_slice %arg11[%dma_start3A_78, %dma_start3A_82] : memref<40x128xi32, #tpu.memory_space<vmem>> -> memref<1x128xi32, #tpu.memory_space<vmem>>
        %dma_start3A_84 = tpu.memref_squeeze %dma_start3A_83 : memref<1x128xi32, #tpu.memory_space<vmem>> -> memref<128xi32, #tpu.memory_space<vmem>>
        %dma_start3A_85 = arith.constant 0 : i32
        %dma_start3A_86 = arith.constant 0 : i32
        %dma_start3A_87 = tpu.memref_slice %arg8[%dma_start3A_85, %dma_start3A_86] : memref<100352x8xf32, #tpu.memory_space<vmem_shared>> -> memref<100352x8xf32, #tpu.memory_space<vmem_shared>>
        tpu.enqueue_indirect_dma source(%dma_start3A_81 : memref<128x8xf32, #tpu.memory_space<vmem>>) target(%dma_start3A_87 : memref<100352x8xf32, #tpu.memory_space<vmem_shared>>) offsets(%dma_start3A_84 : memref<128xi32, #tpu.memory_space<vmem>>) semaphore(%arg14 : memref<!tpu.dma_semaphore, #tpu.memory_space<semaphore_mem>>) {add = true}
        %dma_start3A_88 = arith.constant 2 : i32
        %dma_start3A_89 = arith.constant 256 : i32
        %dma_start3A_90 = arith.constant 0 : i32
        %dma_start3A_91 = tpu.memref_slice %arg12[%dma_start3A_89, %dma_start3A_90] : memref<5120x8xf32, #tpu.memory_space<vmem>> -> memref<128x8xf32, #tpu.memory_space<vmem>>
        %dma_start3A_92 = arith.constant 0 : i32
        %dma_start3A_93 = tpu.memref_slice %arg11[%dma_start3A_88, %dma_start3A_92] : memref<40x128xi32, #tpu.memory_space<vmem>> -> memref<1x128xi32, #tpu.memory_space<vmem>>
        %dma_start3A_94 = tpu.memref_squeeze %dma_start3A_93 : memref<1x128xi32, #tpu.memory_space<vmem>> -> memref<128xi32, #tpu.memory_space<vmem>>
        %dma_start3A_95 = arith.constant 0 : i32
        %dma_start3A_96 = arith.constant 0 : i32
        %dma_start3A_97 = tpu.memref_slice %arg8[%dma_start3A_95, %dma_start3A_96] : memref<100352x8xf32, #tpu.memory_space<vmem_shared>> -> memref<100352x8xf32, #tpu.memory_space<vmem_shared>>
        tpu.enqueue_indirect_dma source(%dma_start3A_91 : memref<128x8xf32, #tpu.memory_space<vmem>>) target(%dma_start3A_97 : memref<100352x8xf32, #tpu.memory_space<vmem_shared>>) offsets(%dma_start3A_94 : memref<128xi32, #tpu.memory_space<vmem>>) semaphore(%arg14 : memref<!tpu.dma_semaphore, #tpu.memory_space<semaphore_mem>>) {add = true}
        %dma_start3A_98 = arith.constant 3 : i32
        %dma_start3A_99 = arith.constant 384 : i32
        %dma_start3A_100 = arith.constant 0 : i32
        %dma_start3A_101 = tpu.memref_slice %arg12[%dma_start3A_99, %dma_start3A_100] : memref<5120x8xf32, #tpu.memory_space<vmem>> -> memref<128x8xf32, #tpu.memory_space<vmem>>
        %dma_start3A_102 = arith.constant 0 : i32
        %dma_start3A_103 = tpu.memref_slice %arg11[%dma_start3A_98, %dma_start3A_102] : memref<40x128xi32, #tpu.memory_space<vmem>> -> memref<1x128xi32, #tpu.memory_space<vmem>>
        %dma_start3A_104 = tpu.memref_squeeze %dma_start3A_103 : memref<1x128xi32, #tpu.memory_space<vmem>> -> memref<128xi32, #tpu.memory_space<vmem>>
        %dma_start3A_105 = arith.constant 0 : i32
        %dma_start3A_106 = arith.constant 0 : i32
        %dma_start3A_107 = tpu.memref_slice %arg8[%dma_start3A_105, %dma_start3A_106] : memref<100352x8xf32, #tpu.memory_space<vmem_shared>> -> memref<100352x8xf32, #tpu.memory_space<vmem_shared>>
        tpu.enqueue_indirect_dma source(%dma_start3A_101 : memref<128x8xf32, #tpu.memory_space<vmem>>) target(%dma_start3A_107 : memref<100352x8xf32, #tpu.memory_space<vmem_shared>>) offsets(%dma_start3A_104 : memref<128xi32, #tpu.memory_space<vmem>>) semaphore(%arg14 : memref<!tpu.dma_semaphore, #tpu.memory_space<semaphore_mem>>) {add = true}
        %dma_start3A_108 = arith.constant 4 : i32
        %dma_start3A_109 = arith.constant 512 : i32
        %dma_start3A_110 = arith.constant 0 : i32
        %dma_start3A_111 = tpu.memref_slice %arg12[%dma_start3A_109, %dma_start3A_110] : memref<5120x8xf32, #tpu.memory_space<vmem>> -> memref<128x8xf32, #tpu.memory_space<vmem>>
        %dma_start3A_112 = arith.constant 0 : i32
        %dma_start3A_113 = tpu.memref_slice %arg11[%dma_start3A_108, %dma_start3A_112] : memref<40x128xi32, #tpu.memory_space<vmem>> -> memref<1x128xi32, #tpu.memory_space<vmem>>
        %dma_start3A_114 = tpu.memref_squeeze %dma_start3A_113 : memref<1x128xi32, #tpu.memory_space<vmem>> -> memref<128xi32, #tpu.memory_space<vmem>>
        %dma_start3A_115 = arith.constant 0 : i32
        %dma_start3A_116 = arith.constant 0 : i32
        %dma_start3A_117 = tpu.memref_slice %arg8[%dma_start3A_115, %dma_start3A_116] : memref<100352x8xf32, #tpu.memory_space<vmem_shared>> -> memref<100352x8xf32, #tpu.memory_space<vmem_shared>>
        tpu.enqueue_indirect_dma source(%dma_start3A_111 : memref<128x8xf32, #tpu.memory_space<vmem>>) target(%dma_start3A_117 : memref<100352x8xf32, #tpu.memory_space<vmem_shared>>) offsets(%dma_start3A_114 : memref<128xi32, #tpu.memory_space<vmem>>) semaphore(%arg14 : memref<!tpu.dma_semaphore, #tpu.memory_space<semaphore_mem>>) {add = true}
        %dma_start3A_118 = arith.constant 5 : i32
        %dma_start3A_119 = arith.constant 640 : i32
        %dma_start3A_120 = arith.constant 0 : i32
        %dma_start3A_121 = tpu.memref_slice %arg12[%dma_start3A_119, %dma_start3A_120] : memref<5120x8xf32, #tpu.memory_space<vmem>> -> memref<128x8xf32, #tpu.memory_space<vmem>>
        %dma_start3A_122 = arith.constant 0 : i32
        %dma_start3A_123 = tpu.memref_slice %arg11[%dma_start3A_118, %dma_start3A_122] : memref<40x128xi32, #tpu.memory_space<vmem>> -> memref<1x128xi32, #tpu.memory_space<vmem>>
        %dma_start3A_124 = tpu.memref_squeeze %dma_start3A_123 : memref<1x128xi32, #tpu.memory_space<vmem>> -> memref<128xi32, #tpu.memory_space<vmem>>
        %dma_start3A_125 = arith.constant 0 : i32
        %dma_start3A_126 = arith.constant 0 : i32
        %dma_start3A_127 = tpu.memref_slice %arg8[%dma_start3A_125, %dma_start3A_126] : memref<100352x8xf32, #tpu.memory_space<vmem_shared>> -> memref<100352x8xf32, #tpu.memory_space<vmem_shared>>
        tpu.enqueue_indirect_dma source(%dma_start3A_121 : memref<128x8xf32, #tpu.memory_space<vmem>>) target(%dma_start3A_127 : memref<100352x8xf32, #tpu.memory_space<vmem_shared>>) offsets(%dma_start3A_124 : memref<128xi32, #tpu.memory_space<vmem>>) semaphore(%arg14 : memref<!tpu.dma_semaphore, #tpu.memory_space<semaphore_mem>>) {add = true}
        %dma_start3A_128 = arith.constant 6 : i32
        %dma_start3A_129 = arith.constant 768 : i32
        %dma_start3A_130 = arith.constant 0 : i32
        %dma_start3A_131 = tpu.memref_slice %arg12[%dma_start3A_129, %dma_start3A_130] : memref<5120x8xf32, #tpu.memory_space<vmem>> -> memref<128x8xf32, #tpu.memory_space<vmem>>
        %dma_start3A_132 = arith.constant 0 : i32
        %dma_start3A_133 = tpu.memref_slice %arg11[%dma_start3A_128, %dma_start3A_132] : memref<40x128xi32, #tpu.memory_space<vmem>> -> memref<1x128xi32, #tpu.memory_space<vmem>>
        %dma_start3A_134 = tpu.memref_squeeze %dma_start3A_133 : memref<1x128xi32, #tpu.memory_space<vmem>> -> memref<128xi32, #tpu.memory_space<vmem>>
        %dma_start3A_135 = arith.constant 0 : i32
        %dma_start3A_136 = arith.constant 0 : i32
        %dma_start3A_137 = tpu.memref_slice %arg8[%dma_start3A_135, %dma_start3A_136] : memref<100352x8xf32, #tpu.memory_space<vmem_shared>> -> memref<100352x8xf32, #tpu.memory_space<vmem_shared>>
        tpu.enqueue_indirect_dma source(%dma_start3A_131 : memref<128x8xf32, #tpu.memory_space<vmem>>) target(%dma_start3A_137 : memref<100352x8xf32, #tpu.memory_space<vmem_shared>>) offsets(%dma_start3A_134 : memref<128xi32, #tpu.memory_space<vmem>>) semaphore(%arg14 : memref<!tpu.dma_semaphore, #tpu.memory_space<semaphore_mem>>) {add = true}
        %dma_start3A_138 = arith.constant 7 : i32
        %dma_start3A_139 = arith.constant 896 : i32
        %dma_start3A_140 = arith.constant 0 : i32
        %dma_start3A_141 = tpu.memref_slice %arg12[%dma_start3A_139, %dma_start3A_140] : memref<5120x8xf32, #tpu.memory_space<vmem>> -> memref<128x8xf32, #tpu.memory_space<vmem>>
        %dma_start3A_142 = arith.constant 0 : i32
        %dma_start3A_143 = tpu.memref_slice %arg11[%dma_start3A_138, %dma_start3A_142] : memref<40x128xi32, #tpu.memory_space<vmem>> -> memref<1x128xi32, #tpu.memory_space<vmem>>
        %dma_start3A_144 = tpu.memref_squeeze %dma_start3A_143 : memref<1x128xi32, #tpu.memory_space<vmem>> -> memref<128xi32, #tpu.memory_space<vmem>>
        %dma_start3A_145 = arith.constant 0 : i32
        %dma_start3A_146 = arith.constant 0 : i32
        %dma_start3A_147 = tpu.memref_slice %arg8[%dma_start3A_145, %dma_start3A_146] : memref<100352x8xf32, #tpu.memory_space<vmem_shared>> -> memref<100352x8xf32, #tpu.memory_space<vmem_shared>>
        tpu.enqueue_indirect_dma source(%dma_start3A_141 : memref<128x8xf32, #tpu.memory_space<vmem>>) target(%dma_start3A_147 : memref<100352x8xf32, #tpu.memory_space<vmem_shared>>) offsets(%dma_start3A_144 : memref<128xi32, #tpu.memory_space<vmem>>) semaphore(%arg14 : memref<!tpu.dma_semaphore, #tpu.memory_space<semaphore_mem>>) {add = true}
        %dma_start3A_148 = arith.constant 8 : i32
        %dma_start3A_149 = arith.constant 1024 : i32
        %dma_start3A_150 = arith.constant 0 : i32
        %dma_start3A_151 = tpu.memref_slice %arg12[%dma_start3A_149, %dma_start3A_150] : memref<5120x8xf32, #tpu.memory_space<vmem>> -> memref<128x8xf32, #tpu.memory_space<vmem>>
        %dma_start3A_152 = arith.constant 0 : i32
        %dma_start3A_153 = tpu.memref_slice %arg11[%dma_start3A_148, %dma_start3A_152] : memref<40x128xi32, #tpu.memory_space<vmem>> -> memref<1x128xi32, #tpu.memory_space<vmem>>
        %dma_start3A_154 = tpu.memref_squeeze %dma_start3A_153 : memref<1x128xi32, #tpu.memory_space<vmem>> -> memref<128xi32, #tpu.memory_space<vmem>>
        %dma_start3A_155 = arith.constant 0 : i32
        %dma_start3A_156 = arith.constant 0 : i32
        %dma_start3A_157 = tpu.memref_slice %arg8[%dma_start3A_155, %dma_start3A_156] : memref<100352x8xf32, #tpu.memory_space<vmem_shared>> -> memref<100352x8xf32, #tpu.memory_space<vmem_shared>>
        tpu.enqueue_indirect_dma source(%dma_start3A_151 : memref<128x8xf32, #tpu.memory_space<vmem>>) target(%dma_start3A_157 : memref<100352x8xf32, #tpu.memory_space<vmem_shared>>) offsets(%dma_start3A_154 : memref<128xi32, #tpu.memory_space<vmem>>) semaphore(%arg14 : memref<!tpu.dma_semaphore, #tpu.memory_space<semaphore_mem>>) {add = true}
        %dma_start3A_158 = arith.constant 9 : i32
        %dma_start3A_159 = arith.constant 1152 : i32
        %dma_start3A_160 = arith.constant 0 : i32
        %dma_start3A_161 = tpu.memref_slice %arg12[%dma_start3A_159, %dma_start3A_160] : memref<5120x8xf32, #tpu.memory_space<vmem>> -> memref<128x8xf32, #tpu.memory_space<vmem>>
        %dma_start3A_162 = arith.constant 0 : i32
        %dma_start3A_163 = tpu.memref_slice %arg11[%dma_start3A_158, %dma_start3A_162] : memref<40x128xi32, #tpu.memory_space<vmem>> -> memref<1x128xi32, #tpu.memory_space<vmem>>
        %dma_start3A_164 = tpu.memref_squeeze %dma_start3A_163 : memref<1x128xi32, #tpu.memory_space<vmem>> -> memref<128xi32, #tpu.memory_space<vmem>>
        %dma_start3A_165 = arith.constant 0 : i32
        %dma_start3A_166 = arith.constant 0 : i32
        %dma_start3A_167 = tpu.memref_slice %arg8[%dma_start3A_165, %dma_start3A_166] : memref<100352x8xf32, #tpu.memory_space<vmem_shared>> -> memref<100352x8xf32, #tpu.memory_space<vmem_shared>>
        tpu.enqueue_indirect_dma source(%dma_start3A_161 : memref<128x8xf32, #tpu.memory_space<vmem>>) target(%dma_start3A_167 : memref<100352x8xf32, #tpu.memory_space<vmem_shared>>) offsets(%dma_start3A_164 : memref<128xi32, #tpu.memory_space<vmem>>) semaphore(%arg14 : memref<!tpu.dma_semaphore, #tpu.memory_space<semaphore_mem>>) {add = true}
        %dma_start3A_168 = arith.constant 10 : i32
        %dma_start3A_169 = arith.constant 1280 : i32
        %dma_start3A_170 = arith.constant 0 : i32
        %dma_start3A_171 = tpu.memref_slice %arg12[%dma_start3A_169, %dma_start3A_170] : memref<5120x8xf32, #tpu.memory_space<vmem>> -> memref<128x8xf32, #tpu.memory_space<vmem>>
        %dma_start3A_172 = arith.constant 0 : i32
        %dma_start3A_173 = tpu.memref_slice %arg11[%dma_start3A_168, %dma_start3A_172] : memref<40x128xi32, #tpu.memory_space<vmem>> -> memref<1x128xi32, #tpu.memory_space<vmem>>
        %dma_start3A_174 = tpu.memref_squeeze %dma_start3A_173 : memref<1x128xi32, #tpu.memory_space<vmem>> -> memref<128xi32, #tpu.memory_space<vmem>>
        %dma_start3A_175 = arith.constant 0 : i32
        %dma_start3A_176 = arith.constant 0 : i32
        %dma_start3A_177 = tpu.memref_slice %arg8[%dma_start3A_175, %dma_start3A_176] : memref<100352x8xf32, #tpu.memory_space<vmem_shared>> -> memref<100352x8xf32, #tpu.memory_space<vmem_shared>>
        tpu.enqueue_indirect_dma source(%dma_start3A_171 : memref<128x8xf32, #tpu.memory_space<vmem>>) target(%dma_start3A_177 : memref<100352x8xf32, #tpu.memory_space<vmem_shared>>) offsets(%dma_start3A_174 : memref<128xi32, #tpu.memory_space<vmem>>) semaphore(%arg14 : memref<!tpu.dma_semaphore, #tpu.memory_space<semaphore_mem>>) {add = true}
        %dma_start3A_178 = arith.constant 11 : i32
        %dma_start3A_179 = arith.constant 1408 : i32
        %dma_start3A_180 = arith.constant 0 : i32
        %dma_start3A_181 = tpu.memref_slice %arg12[%dma_start3A_179, %dma_start3A_180] : memref<5120x8xf32, #tpu.memory_space<vmem>> -> memref<128x8xf32, #tpu.memory_space<vmem>>
        %dma_start3A_182 = arith.constant 0 : i32
        %dma_start3A_183 = tpu.memref_slice %arg11[%dma_start3A_178, %dma_start3A_182] : memref<40x128xi32, #tpu.memory_space<vmem>> -> memref<1x128xi32, #tpu.memory_space<vmem>>
        %dma_start3A_184 = tpu.memref_squeeze %dma_start3A_183 : memref<1x128xi32, #tpu.memory_space<vmem>> -> memref<128xi32, #tpu.memory_space<vmem>>
        %dma_start3A_185 = arith.constant 0 : i32
        %dma_start3A_186 = arith.constant 0 : i32
        %dma_start3A_187 = tpu.memref_slice %arg8[%dma_start3A_185, %dma_start3A_186] : memref<100352x8xf32, #tpu.memory_space<vmem_shared>> -> memref<100352x8xf32, #tpu.memory_space<vmem_shared>>
        tpu.enqueue_indirect_dma source(%dma_start3A_181 : memref<128x8xf32, #tpu.memory_space<vmem>>) target(%dma_start3A_187 : memref<100352x8xf32, #tpu.memory_space<vmem_shared>>) offsets(%dma_start3A_184 : memref<128xi32, #tpu.memory_space<vmem>>) semaphore(%arg14 : memref<!tpu.dma_semaphore, #tpu.memory_space<semaphore_mem>>) {add = true}
        %dma_start3A_188 = arith.constant 12 : i32
        %dma_start3A_189 = arith.constant 1536 : i32
        %dma_start3A_190 = arith.constant 0 : i32
        %dma_start3A_191 = tpu.memref_slice %arg12[%dma_start3A_189, %dma_start3A_190] : memref<5120x8xf32, #tpu.memory_space<vmem>> -> memref<128x8xf32, #tpu.memory_space<vmem>>
        %dma_start3A_192 = arith.constant 0 : i32
        %dma_start3A_193 = tpu.memref_slice %arg11[%dma_start3A_188, %dma_start3A_192] : memref<40x128xi32, #tpu.memory_space<vmem>> -> memref<1x128xi32, #tpu.memory_space<vmem>>
        %dma_start3A_194 = tpu.memref_squeeze %dma_start3A_193 : memref<1x128xi32, #tpu.memory_space<vmem>> -> memref<128xi32, #tpu.memory_space<vmem>>
        %dma_start3A_195 = arith.constant 0 : i32
        %dma_start3A_196 = arith.constant 0 : i32
        %dma_start3A_197 = tpu.memref_slice %arg8[%dma_start3A_195, %dma_start3A_196] : memref<100352x8xf32, #tpu.memory_space<vmem_shared>> -> memref<100352x8xf32, #tpu.memory_space<vmem_shared>>
        tpu.enqueue_indirect_dma source(%dma_start3A_191 : memref<128x8xf32, #tpu.memory_space<vmem>>) target(%dma_start3A_197 : memref<100352x8xf32, #tpu.memory_space<vmem_shared>>) offsets(%dma_start3A_194 : memref<128xi32, #tpu.memory_space<vmem>>) semaphore(%arg14 : memref<!tpu.dma_semaphore, #tpu.memory_space<semaphore_mem>>) {add = true}
        %dma_start3A_198 = arith.constant 13 : i32
        %dma_start3A_199 = arith.constant 1664 : i32
        %dma_start3A_200 = arith.constant 0 : i32
        %dma_start3A_201 = tpu.memref_slice %arg12[%dma_start3A_199, %dma_start3A_200] : memref<5120x8xf32, #tpu.memory_space<vmem>> -> memref<128x8xf32, #tpu.memory_space<vmem>>
        %dma_start3A_202 = arith.constant 0 : i32
        %dma_start3A_203 = tpu.memref_slice %arg11[%dma_start3A_198, %dma_start3A_202] : memref<40x128xi32, #tpu.memory_space<vmem>> -> memref<1x128xi32, #tpu.memory_space<vmem>>
        %dma_start3A_204 = tpu.memref_squeeze %dma_start3A_203 : memref<1x128xi32, #tpu.memory_space<vmem>> -> memref<128xi32, #tpu.memory_space<vmem>>
        %dma_start3A_205 = arith.constant 0 : i32
        %dma_start3A_206 = arith.constant 0 : i32
        %dma_start3A_207 = tpu.memref_slice %arg8[%dma_start3A_205, %dma_start3A_206] : memref<100352x8xf32, #tpu.memory_space<vmem_shared>> -> memref<100352x8xf32, #tpu.memory_space<vmem_shared>>
        tpu.enqueue_indirect_dma source(%dma_start3A_201 : memref<128x8xf32, #tpu.memory_space<vmem>>) target(%dma_start3A_207 : memref<100352x8xf32, #tpu.memory_space<vmem_shared>>) offsets(%dma_start3A_204 : memref<128xi32, #tpu.memory_space<vmem>>) semaphore(%arg14 : memref<!tpu.dma_semaphore, #tpu.memory_space<semaphore_mem>>) {add = true}
        %dma_start3A_208 = arith.constant 14 : i32
        %dma_start3A_209 = arith.constant 1792 : i32
        %dma_start3A_210 = arith.constant 0 : i32
        %dma_start3A_211 = tpu.memref_slice %arg12[%dma_start3A_209, %dma_start3A_210] : memref<5120x8xf32, #tpu.memory_space<vmem>> -> memref<128x8xf32, #tpu.memory_space<vmem>>
        %dma_start3A_212 = arith.constant 0 : i32
        %dma_start3A_213 = tpu.memref_slice %arg11[%dma_start3A_208, %dma_start3A_212] : memref<40x128xi32, #tpu.memory_space<vmem>> -> memref<1x128xi32, #tpu.memory_space<vmem>>
        %dma_start3A_214 = tpu.memref_squeeze %dma_start3A_213 : memref<1x128xi32, #tpu.memory_space<vmem>> -> memref<128xi32, #tpu.memory_space<vmem>>
        %dma_start3A_215 = arith.constant 0 : i32
        %dma_start3A_216 = arith.constant 0 : i32
        %dma_start3A_217 = tpu.memref_slice %arg8[%dma_start3A_215, %dma_start3A_216] : memref<100352x8xf32, #tpu.memory_space<vmem_shared>> -> memref<100352x8xf32, #tpu.memory_space<vmem_shared>>
        tpu.enqueue_indirect_dma source(%dma_start3A_211 : memref<128x8xf32, #tpu.memory_space<vmem>>) target(%dma_start3A_217 : memref<100352x8xf32, #tpu.memory_space<vmem_shared>>) offsets(%dma_start3A_214 : memref<128xi32, #tpu.memory_space<vmem>>) semaphore(%arg14 : memref<!tpu.dma_semaphore, #tpu.memory_space<semaphore_mem>>) {add = true}
        %dma_start3A_218 = arith.constant 15 : i32
        %dma_start3A_219 = arith.constant 1920 : i32
        %dma_start3A_220 = arith.constant 0 : i32
        %dma_start3A_221 = tpu.memref_slice %arg12[%dma_start3A_219, %dma_start3A_220] : memref<5120x8xf32, #tpu.memory_space<vmem>> -> memref<128x8xf32, #tpu.memory_space<vmem>>
        %dma_start3A_222 = arith.constant 0 : i32
        %dma_start3A_223 = tpu.memref_slice %arg11[%dma_start3A_218, %dma_start3A_222] : memref<40x128xi32, #tpu.memory_space<vmem>> -> memref<1x128xi32, #tpu.memory_space<vmem>>
        %dma_start3A_224 = tpu.memref_squeeze %dma_start3A_223 : memref<1x128xi32, #tpu.memory_space<vmem>> -> memref<128xi32, #tpu.memory_space<vmem>>
        %dma_start3A_225 = arith.constant 0 : i32
        %dma_start3A_226 = arith.constant 0 : i32
        %dma_start3A_227 = tpu.memref_slice %arg8[%dma_start3A_225, %dma_start3A_226] : memref<100352x8xf32, #tpu.memory_space<vmem_shared>> -> memref<100352x8xf32, #tpu.memory_space<vmem_shared>>
        tpu.enqueue_indirect_dma source(%dma_start3A_221 : memref<128x8xf32, #tpu.memory_space<vmem>>) target(%dma_start3A_227 : memref<100352x8xf32, #tpu.memory_space<vmem_shared>>) offsets(%dma_start3A_224 : memref<128xi32, #tpu.memory_space<vmem>>) semaphore(%arg14 : memref<!tpu.dma_semaphore, #tpu.memory_space<semaphore_mem>>) {add = true}
        %dma_start3A_228 = arith.constant 16 : i32
        %dma_start3A_229 = arith.constant 2048 : i32
        %dma_start3A_230 = arith.constant 0 : i32
        %dma_start3A_231 = tpu.memref_slice %arg12[%dma_start3A_229, %dma_start3A_230] : memref<5120x8xf32, #tpu.memory_space<vmem>> -> memref<128x8xf32, #tpu.memory_space<vmem>>
        %dma_start3A_232 = arith.constant 0 : i32
        %dma_start3A_233 = tpu.memref_slice %arg11[%dma_start3A_228, %dma_start3A_232] : memref<40x128xi32, #tpu.memory_space<vmem>> -> memref<1x128xi32, #tpu.memory_space<vmem>>
        %dma_start3A_234 = tpu.memref_squeeze %dma_start3A_233 : memref<1x128xi32, #tpu.memory_space<vmem>> -> memref<128xi32, #tpu.memory_space<vmem>>
        %dma_start3A_235 = arith.constant 0 : i32
        %dma_start3A_236 = arith.constant 0 : i32
        %dma_start3A_237 = tpu.memref_slice %arg8[%dma_start3A_235, %dma_start3A_236] : memref<100352x8xf32, #tpu.memory_space<vmem_shared>> -> memref<100352x8xf32, #tpu.memory_space<vmem_shared>>
        tpu.enqueue_indirect_dma source(%dma_start3A_231 : memref<128x8xf32, #tpu.memory_space<vmem>>) target(%dma_start3A_237 : memref<100352x8xf32, #tpu.memory_space<vmem_shared>>) offsets(%dma_start3A_234 : memref<128xi32, #tpu.memory_space<vmem>>) semaphore(%arg14 : memref<!tpu.dma_semaphore, #tpu.memory_space<semaphore_mem>>) {add = true}
        %dma_start3A_238 = arith.constant 17 : i32
        %dma_start3A_239 = arith.constant 2176 : i32
        %dma_start3A_240 = arith.constant 0 : i32
        %dma_start3A_241 = tpu.memref_slice %arg12[%dma_start3A_239, %dma_start3A_240] : memref<5120x8xf32, #tpu.memory_space<vmem>> -> memref<128x8xf32, #tpu.memory_space<vmem>>
        %dma_start3A_242 = arith.constant 0 : i32
        %dma_start3A_243 = tpu.memref_slice %arg11[%dma_start3A_238, %dma_start3A_242] : memref<40x128xi32, #tpu.memory_space<vmem>> -> memref<1x128xi32, #tpu.memory_space<vmem>>
        %dma_start3A_244 = tpu.memref_squeeze %dma_start3A_243 : memref<1x128xi32, #tpu.memory_space<vmem>> -> memref<128xi32, #tpu.memory_space<vmem>>
        %dma_start3A_245 = arith.constant 0 : i32
        %dma_start3A_246 = arith.constant 0 : i32
        %dma_start3A_247 = tpu.memref_slice %arg8[%dma_start3A_245, %dma_start3A_246] : memref<100352x8xf32, #tpu.memory_space<vmem_shared>> -> memref<100352x8xf32, #tpu.memory_space<vmem_shared>>
        tpu.enqueue_indirect_dma source(%dma_start3A_241 : memref<128x8xf32, #tpu.memory_space<vmem>>) target(%dma_start3A_247 : memref<100352x8xf32, #tpu.memory_space<vmem_shared>>) offsets(%dma_start3A_244 : memref<128xi32, #tpu.memory_space<vmem>>) semaphore(%arg14 : memref<!tpu.dma_semaphore, #tpu.memory_space<semaphore_mem>>) {add = true}
        %dma_start3A_248 = arith.constant 18 : i32
        %dma_start3A_249 = arith.constant 2304 : i32
        %dma_start3A_250 = arith.constant 0 : i32
        %dma_start3A_251 = tpu.memref_slice %arg12[%dma_start3A_249, %dma_start3A_250] : memref<5120x8xf32, #tpu.memory_space<vmem>> -> memref<128x8xf32, #tpu.memory_space<vmem>>
        %dma_start3A_252 = arith.constant 0 : i32
        %dma_start3A_253 = tpu.memref_slice %arg11[%dma_start3A_248, %dma_start3A_252] : memref<40x128xi32, #tpu.memory_space<vmem>> -> memref<1x128xi32, #tpu.memory_space<vmem>>
        %dma_start3A_254 = tpu.memref_squeeze %dma_start3A_253 : memref<1x128xi32, #tpu.memory_space<vmem>> -> memref<128xi32, #tpu.memory_space<vmem>>
        %dma_start3A_255 = arith.constant 0 : i32
        %dma_start3A_256 = arith.constant 0 : i32
        %dma_start3A_257 = tpu.memref_slice %arg8[%dma_start3A_255, %dma_start3A_256] : memref<100352x8xf32, #tpu.memory_space<vmem_shared>> -> memref<100352x8xf32, #tpu.memory_space<vmem_shared>>
        tpu.enqueue_indirect_dma source(%dma_start3A_251 : memref<128x8xf32, #tpu.memory_space<vmem>>) target(%dma_start3A_257 : memref<100352x8xf32, #tpu.memory_space<vmem_shared>>) offsets(%dma_start3A_254 : memref<128xi32, #tpu.memory_space<vmem>>) semaphore(%arg14 : memref<!tpu.dma_semaphore, #tpu.memory_space<semaphore_mem>>) {add = true}
        %dma_start3A_258 = arith.constant 19 : i32
        %dma_start3A_259 = arith.constant 2432 : i32
        %dma_start3A_260 = arith.constant 0 : i32
        %dma_start3A_261 = tpu.memref_slice %arg12[%dma_start3A_259, %dma_start3A_260] : memref<5120x8xf32, #tpu.memory_space<vmem>> -> memref<128x8xf32, #tpu.memory_space<vmem>>
        %dma_start3A_262 = arith.constant 0 : i32
        %dma_start3A_263 = tpu.memref_slice %arg11[%dma_start3A_258, %dma_start3A_262] : memref<40x128xi32, #tpu.memory_space<vmem>> -> memref<1x128xi32, #tpu.memory_space<vmem>>
        %dma_start3A_264 = tpu.memref_squeeze %dma_start3A_263 : memref<1x128xi32, #tpu.memory_space<vmem>> -> memref<128xi32, #tpu.memory_space<vmem>>
        %dma_start3A_265 = arith.constant 0 : i32
        %dma_start3A_266 = arith.constant 0 : i32
        %dma_start3A_267 = tpu.memref_slice %arg8[%dma_start3A_265, %dma_start3A_266] : memref<100352x8xf32, #tpu.memory_space<vmem_shared>> -> memref<100352x8xf32, #tpu.memory_space<vmem_shared>>
        tpu.enqueue_indirect_dma source(%dma_start3A_261 : memref<128x8xf32, #tpu.memory_space<vmem>>) target(%dma_start3A_267 : memref<100352x8xf32, #tpu.memory_space<vmem_shared>>) offsets(%dma_start3A_264 : memref<128xi32, #tpu.memory_space<vmem>>) semaphore(%arg14 : memref<!tpu.dma_semaphore, #tpu.memory_space<semaphore_mem>>) {add = true}
        %dma_start3A_268 = arith.constant 20 : i32
        %dma_start3A_269 = arith.constant 2560 : i32
        %dma_start3A_270 = arith.constant 0 : i32
        %dma_start3A_271 = tpu.memref_slice %arg12[%dma_start3A_269, %dma_start3A_270] : memref<5120x8xf32, #tpu.memory_space<vmem>> -> memref<128x8xf32, #tpu.memory_space<vmem>>
        %dma_start3A_272 = arith.constant 0 : i32
        %dma_start3A_273 = tpu.memref_slice %arg11[%dma_start3A_268, %dma_start3A_272] : memref<40x128xi32, #tpu.memory_space<vmem>> -> memref<1x128xi32, #tpu.memory_space<vmem>>
        %dma_start3A_274 = tpu.memref_squeeze %dma_start3A_273 : memref<1x128xi32, #tpu.memory_space<vmem>> -> memref<128xi32, #tpu.memory_space<vmem>>
        %dma_start3A_275 = arith.constant 0 : i32
        %dma_start3A_276 = arith.constant 0 : i32
        %dma_start3A_277 = tpu.memref_slice %arg8[%dma_start3A_275, %dma_start3A_276] : memref<100352x8xf32, #tpu.memory_space<vmem_shared>> -> memref<100352x8xf32, #tpu.memory_space<vmem_shared>>
        tpu.enqueue_indirect_dma source(%dma_start3A_271 : memref<128x8xf32, #tpu.memory_space<vmem>>) target(%dma_start3A_277 : memref<100352x8xf32, #tpu.memory_space<vmem_shared>>) offsets(%dma_start3A_274 : memref<128xi32, #tpu.memory_space<vmem>>) semaphore(%arg14 : memref<!tpu.dma_semaphore, #tpu.memory_space<semaphore_mem>>) {add = true}
        %dma_start3A_278 = arith.constant 21 : i32
        %dma_start3A_279 = arith.constant 2688 : i32
        %dma_start3A_280 = arith.constant 0 : i32
        %dma_start3A_281 = tpu.memref_slice %arg12[%dma_start3A_279, %dma_start3A_280] : memref<5120x8xf32, #tpu.memory_space<vmem>> -> memref<128x8xf32, #tpu.memory_space<vmem>>
        %dma_start3A_282 = arith.constant 0 : i32
        %dma_start3A_283 = tpu.memref_slice %arg11[%dma_start3A_278, %dma_start3A_282] : memref<40x128xi32, #tpu.memory_space<vmem>> -> memref<1x128xi32, #tpu.memory_space<vmem>>
        %dma_start3A_284 = tpu.memref_squeeze %dma_start3A_283 : memref<1x128xi32, #tpu.memory_space<vmem>> -> memref<128xi32, #tpu.memory_space<vmem>>
        %dma_start3A_285 = arith.constant 0 : i32
        %dma_start3A_286 = arith.constant 0 : i32
        %dma_start3A_287 = tpu.memref_slice %arg8[%dma_start3A_285, %dma_start3A_286] : memref<100352x8xf32, #tpu.memory_space<vmem_shared>> -> memref<100352x8xf32, #tpu.memory_space<vmem_shared>>
        tpu.enqueue_indirect_dma source(%dma_start3A_281 : memref<128x8xf32, #tpu.memory_space<vmem>>) target(%dma_start3A_287 : memref<100352x8xf32, #tpu.memory_space<vmem_shared>>) offsets(%dma_start3A_284 : memref<128xi32, #tpu.memory_space<vmem>>) semaphore(%arg14 : memref<!tpu.dma_semaphore, #tpu.memory_space<semaphore_mem>>) {add = true}
        %dma_start3A_288 = arith.constant 22 : i32
        %dma_start3A_289 = arith.constant 2816 : i32
        %dma_start3A_290 = arith.constant 0 : i32
        %dma_start3A_291 = tpu.memref_slice %arg12[%dma_start3A_289, %dma_start3A_290] : memref<5120x8xf32, #tpu.memory_space<vmem>> -> memref<128x8xf32, #tpu.memory_space<vmem>>
        %dma_start3A_292 = arith.constant 0 : i32
        %dma_start3A_293 = tpu.memref_slice %arg11[%dma_start3A_288, %dma_start3A_292] : memref<40x128xi32, #tpu.memory_space<vmem>> -> memref<1x128xi32, #tpu.memory_space<vmem>>
        %dma_start3A_294 = tpu.memref_squeeze %dma_start3A_293 : memref<1x128xi32, #tpu.memory_space<vmem>> -> memref<128xi32, #tpu.memory_space<vmem>>
        %dma_start3A_295 = arith.constant 0 : i32
        %dma_start3A_296 = arith.constant 0 : i32
        %dma_start3A_297 = tpu.memref_slice %arg8[%dma_start3A_295, %dma_start3A_296] : memref<100352x8xf32, #tpu.memory_space<vmem_shared>> -> memref<100352x8xf32, #tpu.memory_space<vmem_shared>>
        tpu.enqueue_indirect_dma source(%dma_start3A_291 : memref<128x8xf32, #tpu.memory_space<vmem>>) target(%dma_start3A_297 : memref<100352x8xf32, #tpu.memory_space<vmem_shared>>) offsets(%dma_start3A_294 : memref<128xi32, #tpu.memory_space<vmem>>) semaphore(%arg14 : memref<!tpu.dma_semaphore, #tpu.memory_space<semaphore_mem>>) {add = true}
        %dma_start3A_298 = arith.constant 23 : i32
        %dma_start3A_299 = arith.constant 2944 : i32
        %dma_start3A_300 = arith.constant 0 : i32
        %dma_start3A_301 = tpu.memref_slice %arg12[%dma_start3A_299, %dma_start3A_300] : memref<5120x8xf32, #tpu.memory_space<vmem>> -> memref<128x8xf32, #tpu.memory_space<vmem>>
        %dma_start3A_302 = arith.constant 0 : i32
        %dma_start3A_303 = tpu.memref_slice %arg11[%dma_start3A_298, %dma_start3A_302] : memref<40x128xi32, #tpu.memory_space<vmem>> -> memref<1x128xi32, #tpu.memory_space<vmem>>
        %dma_start3A_304 = tpu.memref_squeeze %dma_start3A_303 : memref<1x128xi32, #tpu.memory_space<vmem>> -> memref<128xi32, #tpu.memory_space<vmem>>
        %dma_start3A_305 = arith.constant 0 : i32
        %dma_start3A_306 = arith.constant 0 : i32
        %dma_start3A_307 = tpu.memref_slice %arg8[%dma_start3A_305, %dma_start3A_306] : memref<100352x8xf32, #tpu.memory_space<vmem_shared>> -> memref<100352x8xf32, #tpu.memory_space<vmem_shared>>
        tpu.enqueue_indirect_dma source(%dma_start3A_301 : memref<128x8xf32, #tpu.memory_space<vmem>>) target(%dma_start3A_307 : memref<100352x8xf32, #tpu.memory_space<vmem_shared>>) offsets(%dma_start3A_304 : memref<128xi32, #tpu.memory_space<vmem>>) semaphore(%arg14 : memref<!tpu.dma_semaphore, #tpu.memory_space<semaphore_mem>>) {add = true}
        %dma_start3A_308 = arith.constant 24 : i32
        %dma_start3A_309 = arith.constant 3072 : i32
        %dma_start3A_310 = arith.constant 0 : i32
        %dma_start3A_311 = tpu.memref_slice %arg12[%dma_start3A_309, %dma_start3A_310] : memref<5120x8xf32, #tpu.memory_space<vmem>> -> memref<128x8xf32, #tpu.memory_space<vmem>>
        %dma_start3A_312 = arith.constant 0 : i32
        %dma_start3A_313 = tpu.memref_slice %arg11[%dma_start3A_308, %dma_start3A_312] : memref<40x128xi32, #tpu.memory_space<vmem>> -> memref<1x128xi32, #tpu.memory_space<vmem>>
        %dma_start3A_314 = tpu.memref_squeeze %dma_start3A_313 : memref<1x128xi32, #tpu.memory_space<vmem>> -> memref<128xi32, #tpu.memory_space<vmem>>
        %dma_start3A_315 = arith.constant 0 : i32
        %dma_start3A_316 = arith.constant 0 : i32
        %dma_start3A_317 = tpu.memref_slice %arg8[%dma_start3A_315, %dma_start3A_316] : memref<100352x8xf32, #tpu.memory_space<vmem_shared>> -> memref<100352x8xf32, #tpu.memory_space<vmem_shared>>
        tpu.enqueue_indirect_dma source(%dma_start3A_311 : memref<128x8xf32, #tpu.memory_space<vmem>>) target(%dma_start3A_317 : memref<100352x8xf32, #tpu.memory_space<vmem_shared>>) offsets(%dma_start3A_314 : memref<128xi32, #tpu.memory_space<vmem>>) semaphore(%arg14 : memref<!tpu.dma_semaphore, #tpu.memory_space<semaphore_mem>>) {add = true}
        %dma_start3A_318 = arith.constant 25 : i32
        %dma_start3A_319 = arith.constant 3200 : i32
        %dma_start3A_320 = arith.constant 0 : i32
        %dma_start3A_321 = tpu.memref_slice %arg12[%dma_start3A_319, %dma_start3A_320] : memref<5120x8xf32, #tpu.memory_space<vmem>> -> memref<128x8xf32, #tpu.memory_space<vmem>>
        %dma_start3A_322 = arith.constant 0 : i32
        %dma_start3A_323 = tpu.memref_slice %arg11[%dma_start3A_318, %dma_start3A_322] : memref<40x128xi32, #tpu.memory_space<vmem>> -> memref<1x128xi32, #tpu.memory_space<vmem>>
        %dma_start3A_324 = tpu.memref_squeeze %dma_start3A_323 : memref<1x128xi32, #tpu.memory_space<vmem>> -> memref<128xi32, #tpu.memory_space<vmem>>
        %dma_start3A_325 = arith.constant 0 : i32
        %dma_start3A_326 = arith.constant 0 : i32
        %dma_start3A_327 = tpu.memref_slice %arg8[%dma_start3A_325, %dma_start3A_326] : memref<100352x8xf32, #tpu.memory_space<vmem_shared>> -> memref<100352x8xf32, #tpu.memory_space<vmem_shared>>
        tpu.enqueue_indirect_dma source(%dma_start3A_321 : memref<128x8xf32, #tpu.memory_space<vmem>>) target(%dma_start3A_327 : memref<100352x8xf32, #tpu.memory_space<vmem_shared>>) offsets(%dma_start3A_324 : memref<128xi32, #tpu.memory_space<vmem>>) semaphore(%arg14 : memref<!tpu.dma_semaphore, #tpu.memory_space<semaphore_mem>>) {add = true}
        %dma_start3A_328 = arith.constant 26 : i32
        %dma_start3A_329 = arith.constant 3328 : i32
        %dma_start3A_330 = arith.constant 0 : i32
        %dma_start3A_331 = tpu.memref_slice %arg12[%dma_start3A_329, %dma_start3A_330] : memref<5120x8xf32, #tpu.memory_space<vmem>> -> memref<128x8xf32, #tpu.memory_space<vmem>>
        %dma_start3A_332 = arith.constant 0 : i32
        %dma_start3A_333 = tpu.memref_slice %arg11[%dma_start3A_328, %dma_start3A_332] : memref<40x128xi32, #tpu.memory_space<vmem>> -> memref<1x128xi32, #tpu.memory_space<vmem>>
        %dma_start3A_334 = tpu.memref_squeeze %dma_start3A_333 : memref<1x128xi32, #tpu.memory_space<vmem>> -> memref<128xi32, #tpu.memory_space<vmem>>
        %dma_start3A_335 = arith.constant 0 : i32
        %dma_start3A_336 = arith.constant 0 : i32
        %dma_start3A_337 = tpu.memref_slice %arg8[%dma_start3A_335, %dma_start3A_336] : memref<100352x8xf32, #tpu.memory_space<vmem_shared>> -> memref<100352x8xf32, #tpu.memory_space<vmem_shared>>
        tpu.enqueue_indirect_dma source(%dma_start3A_331 : memref<128x8xf32, #tpu.memory_space<vmem>>) target(%dma_start3A_337 : memref<100352x8xf32, #tpu.memory_space<vmem_shared>>) offsets(%dma_start3A_334 : memref<128xi32, #tpu.memory_space<vmem>>) semaphore(%arg14 : memref<!tpu.dma_semaphore, #tpu.memory_space<semaphore_mem>>) {add = true}
        %dma_start3A_338 = arith.constant 27 : i32
        %dma_start3A_339 = arith.constant 3456 : i32
        %dma_start3A_340 = arith.constant 0 : i32
        %dma_start3A_341 = tpu.memref_slice %arg12[%dma_start3A_339, %dma_start3A_340] : memref<5120x8xf32, #tpu.memory_space<vmem>> -> memref<128x8xf32, #tpu.memory_space<vmem>>
        %dma_start3A_342 = arith.constant 0 : i32
        %dma_start3A_343 = tpu.memref_slice %arg11[%dma_start3A_338, %dma_start3A_342] : memref<40x128xi32, #tpu.memory_space<vmem>> -> memref<1x128xi32, #tpu.memory_space<vmem>>
        %dma_start3A_344 = tpu.memref_squeeze %dma_start3A_343 : memref<1x128xi32, #tpu.memory_space<vmem>> -> memref<128xi32, #tpu.memory_space<vmem>>
        %dma_start3A_345 = arith.constant 0 : i32
        %dma_start3A_346 = arith.constant 0 : i32
        %dma_start3A_347 = tpu.memref_slice %arg8[%dma_start3A_345, %dma_start3A_346] : memref<100352x8xf32, #tpu.memory_space<vmem_shared>> -> memref<100352x8xf32, #tpu.memory_space<vmem_shared>>
        tpu.enqueue_indirect_dma source(%dma_start3A_341 : memref<128x8xf32, #tpu.memory_space<vmem>>) target(%dma_start3A_347 : memref<100352x8xf32, #tpu.memory_space<vmem_shared>>) offsets(%dma_start3A_344 : memref<128xi32, #tpu.memory_space<vmem>>) semaphore(%arg14 : memref<!tpu.dma_semaphore, #tpu.memory_space<semaphore_mem>>) {add = true}
        %dma_start3A_348 = arith.constant 28 : i32
        %dma_start3A_349 = arith.constant 3584 : i32
        %dma_start3A_350 = arith.constant 0 : i32
        %dma_start3A_351 = tpu.memref_slice %arg12[%dma_start3A_349, %dma_start3A_350] : memref<5120x8xf32, #tpu.memory_space<vmem>> -> memref<128x8xf32, #tpu.memory_space<vmem>>
        %dma_start3A_352 = arith.constant 0 : i32
        %dma_start3A_353 = tpu.memref_slice %arg11[%dma_start3A_348, %dma_start3A_352] : memref<40x128xi32, #tpu.memory_space<vmem>> -> memref<1x128xi32, #tpu.memory_space<vmem>>
        %dma_start3A_354 = tpu.memref_squeeze %dma_start3A_353 : memref<1x128xi32, #tpu.memory_space<vmem>> -> memref<128xi32, #tpu.memory_space<vmem>>
        %dma_start3A_355 = arith.constant 0 : i32
        %dma_start3A_356 = arith.constant 0 : i32
        %dma_start3A_357 = tpu.memref_slice %arg8[%dma_start3A_355, %dma_start3A_356] : memref<100352x8xf32, #tpu.memory_space<vmem_shared>> -> memref<100352x8xf32, #tpu.memory_space<vmem_shared>>
        tpu.enqueue_indirect_dma source(%dma_start3A_351 : memref<128x8xf32, #tpu.memory_space<vmem>>) target(%dma_start3A_357 : memref<100352x8xf32, #tpu.memory_space<vmem_shared>>) offsets(%dma_start3A_354 : memref<128xi32, #tpu.memory_space<vmem>>) semaphore(%arg14 : memref<!tpu.dma_semaphore, #tpu.memory_space<semaphore_mem>>) {add = true}
        %dma_start3A_358 = arith.constant 29 : i32
        %dma_start3A_359 = arith.constant 3712 : i32
        %dma_start3A_360 = arith.constant 0 : i32
        %dma_start3A_361 = tpu.memref_slice %arg12[%dma_start3A_359, %dma_start3A_360] : memref<5120x8xf32, #tpu.memory_space<vmem>> -> memref<128x8xf32, #tpu.memory_space<vmem>>
        %dma_start3A_362 = arith.constant 0 : i32
        %dma_start3A_363 = tpu.memref_slice %arg11[%dma_start3A_358, %dma_start3A_362] : memref<40x128xi32, #tpu.memory_space<vmem>> -> memref<1x128xi32, #tpu.memory_space<vmem>>
        %dma_start3A_364 = tpu.memref_squeeze %dma_start3A_363 : memref<1x128xi32, #tpu.memory_space<vmem>> -> memref<128xi32, #tpu.memory_space<vmem>>
        %dma_start3A_365 = arith.constant 0 : i32
        %dma_start3A_366 = arith.constant 0 : i32
        %dma_start3A_367 = tpu.memref_slice %arg8[%dma_start3A_365, %dma_start3A_366] : memref<100352x8xf32, #tpu.memory_space<vmem_shared>> -> memref<100352x8xf32, #tpu.memory_space<vmem_shared>>
        tpu.enqueue_indirect_dma source(%dma_start3A_361 : memref<128x8xf32, #tpu.memory_space<vmem>>) target(%dma_start3A_367 : memref<100352x8xf32, #tpu.memory_space<vmem_shared>>) offsets(%dma_start3A_364 : memref<128xi32, #tpu.memory_space<vmem>>) semaphore(%arg14 : memref<!tpu.dma_semaphore, #tpu.memory_space<semaphore_mem>>) {add = true}
        %dma_start3A_368 = arith.constant 30 : i32
        %dma_start3A_369 = arith.constant 3840 : i32
        %dma_start3A_370 = arith.constant 0 : i32
        %dma_start3A_371 = tpu.memref_slice %arg12[%dma_start3A_369, %dma_start3A_370] : memref<5120x8xf32, #tpu.memory_space<vmem>> -> memref<128x8xf32, #tpu.memory_space<vmem>>
        %dma_start3A_372 = arith.constant 0 : i32
        %dma_start3A_373 = tpu.memref_slice %arg11[%dma_start3A_368, %dma_start3A_372] : memref<40x128xi32, #tpu.memory_space<vmem>> -> memref<1x128xi32, #tpu.memory_space<vmem>>
        %dma_start3A_374 = tpu.memref_squeeze %dma_start3A_373 : memref<1x128xi32, #tpu.memory_space<vmem>> -> memref<128xi32, #tpu.memory_space<vmem>>
        %dma_start3A_375 = arith.constant 0 : i32
        %dma_start3A_376 = arith.constant 0 : i32
        %dma_start3A_377 = tpu.memref_slice %arg8[%dma_start3A_375, %dma_start3A_376] : memref<100352x8xf32, #tpu.memory_space<vmem_shared>> -> memref<100352x8xf32, #tpu.memory_space<vmem_shared>>
        tpu.enqueue_indirect_dma source(%dma_start3A_371 : memref<128x8xf32, #tpu.memory_space<vmem>>) target(%dma_start3A_377 : memref<100352x8xf32, #tpu.memory_space<vmem_shared>>) offsets(%dma_start3A_374 : memref<128xi32, #tpu.memory_space<vmem>>) semaphore(%arg14 : memref<!tpu.dma_semaphore, #tpu.memory_space<semaphore_mem>>) {add = true}
        %dma_start3A_378 = arith.constant 31 : i32
        %dma_start3A_379 = arith.constant 3968 : i32
        %dma_start3A_380 = arith.constant 0 : i32
        %dma_start3A_381 = tpu.memref_slice %arg12[%dma_start3A_379, %dma_start3A_380] : memref<5120x8xf32, #tpu.memory_space<vmem>> -> memref<128x8xf32, #tpu.memory_space<vmem>>
        %dma_start3A_382 = arith.constant 0 : i32
        %dma_start3A_383 = tpu.memref_slice %arg11[%dma_start3A_378, %dma_start3A_382] : memref<40x128xi32, #tpu.memory_space<vmem>> -> memref<1x128xi32, #tpu.memory_space<vmem>>
        %dma_start3A_384 = tpu.memref_squeeze %dma_start3A_383 : memref<1x128xi32, #tpu.memory_space<vmem>> -> memref<128xi32, #tpu.memory_space<vmem>>
        %dma_start3A_385 = arith.constant 0 : i32
        %dma_start3A_386 = arith.constant 0 : i32
        %dma_start3A_387 = tpu.memref_slice %arg8[%dma_start3A_385, %dma_start3A_386] : memref<100352x8xf32, #tpu.memory_space<vmem_shared>> -> memref<100352x8xf32, #tpu.memory_space<vmem_shared>>
        tpu.enqueue_indirect_dma source(%dma_start3A_381 : memref<128x8xf32, #tpu.memory_space<vmem>>) target(%dma_start3A_387 : memref<100352x8xf32, #tpu.memory_space<vmem_shared>>) offsets(%dma_start3A_384 : memref<128xi32, #tpu.memory_space<vmem>>) semaphore(%arg14 : memref<!tpu.dma_semaphore, #tpu.memory_space<semaphore_mem>>) {add = true}
        %dma_start3A_388 = arith.constant 32 : i32
        %dma_start3A_389 = arith.constant 4096 : i32
        %dma_start3A_390 = arith.constant 0 : i32
        %dma_start3A_391 = tpu.memref_slice %arg12[%dma_start3A_389, %dma_start3A_390] : memref<5120x8xf32, #tpu.memory_space<vmem>> -> memref<128x8xf32, #tpu.memory_space<vmem>>
        %dma_start3A_392 = arith.constant 0 : i32
        %dma_start3A_393 = tpu.memref_slice %arg11[%dma_start3A_388, %dma_start3A_392] : memref<40x128xi32, #tpu.memory_space<vmem>> -> memref<1x128xi32, #tpu.memory_space<vmem>>
        %dma_start3A_394 = tpu.memref_squeeze %dma_start3A_393 : memref<1x128xi32, #tpu.memory_space<vmem>> -> memref<128xi32, #tpu.memory_space<vmem>>
        %dma_start3A_395 = arith.constant 0 : i32
        %dma_start3A_396 = arith.constant 0 : i32
        %dma_start3A_397 = tpu.memref_slice %arg8[%dma_start3A_395, %dma_start3A_396] : memref<100352x8xf32, #tpu.memory_space<vmem_shared>> -> memref<100352x8xf32, #tpu.memory_space<vmem_shared>>
        tpu.enqueue_indirect_dma source(%dma_start3A_391 : memref<128x8xf32, #tpu.memory_space<vmem>>) target(%dma_start3A_397 : memref<100352x8xf32, #tpu.memory_space<vmem_shared>>) offsets(%dma_start3A_394 : memref<128xi32, #tpu.memory_space<vmem>>) semaphore(%arg14 : memref<!tpu.dma_semaphore, #tpu.memory_space<semaphore_mem>>) {add = true}
        %dma_start3A_398 = arith.constant 33 : i32
        %dma_start3A_399 = arith.constant 4224 : i32
        %dma_start3A_400 = arith.constant 0 : i32
        %dma_start3A_401 = tpu.memref_slice %arg12[%dma_start3A_399, %dma_start3A_400] : memref<5120x8xf32, #tpu.memory_space<vmem>> -> memref<128x8xf32, #tpu.memory_space<vmem>>
        %dma_start3A_402 = arith.constant 0 : i32
        %dma_start3A_403 = tpu.memref_slice %arg11[%dma_start3A_398, %dma_start3A_402] : memref<40x128xi32, #tpu.memory_space<vmem>> -> memref<1x128xi32, #tpu.memory_space<vmem>>
        %dma_start3A_404 = tpu.memref_squeeze %dma_start3A_403 : memref<1x128xi32, #tpu.memory_space<vmem>> -> memref<128xi32, #tpu.memory_space<vmem>>
        %dma_start3A_405 = arith.constant 0 : i32
        %dma_start3A_406 = arith.constant 0 : i32
        %dma_start3A_407 = tpu.memref_slice %arg8[%dma_start3A_405, %dma_start3A_406] : memref<100352x8xf32, #tpu.memory_space<vmem_shared>> -> memref<100352x8xf32, #tpu.memory_space<vmem_shared>>
        tpu.enqueue_indirect_dma source(%dma_start3A_401 : memref<128x8xf32, #tpu.memory_space<vmem>>) target(%dma_start3A_407 : memref<100352x8xf32, #tpu.memory_space<vmem_shared>>) offsets(%dma_start3A_404 : memref<128xi32, #tpu.memory_space<vmem>>) semaphore(%arg14 : memref<!tpu.dma_semaphore, #tpu.memory_space<semaphore_mem>>) {add = true}
        %dma_start3A_408 = arith.constant 34 : i32
        %dma_start3A_409 = arith.constant 4352 : i32
        %dma_start3A_410 = arith.constant 0 : i32
        %dma_start3A_411 = tpu.memref_slice %arg12[%dma_start3A_409, %dma_start3A_410] : memref<5120x8xf32, #tpu.memory_space<vmem>> -> memref<128x8xf32, #tpu.memory_space<vmem>>
        %dma_start3A_412 = arith.constant 0 : i32
        %dma_start3A_413 = tpu.memref_slice %arg11[%dma_start3A_408, %dma_start3A_412] : memref<40x128xi32, #tpu.memory_space<vmem>> -> memref<1x128xi32, #tpu.memory_space<vmem>>
        %dma_start3A_414 = tpu.memref_squeeze %dma_start3A_413 : memref<1x128xi32, #tpu.memory_space<vmem>> -> memref<128xi32, #tpu.memory_space<vmem>>
        %dma_start3A_415 = arith.constant 0 : i32
        %dma_start3A_416 = arith.constant 0 : i32
        %dma_start3A_417 = tpu.memref_slice %arg8[%dma_start3A_415, %dma_start3A_416] : memref<100352x8xf32, #tpu.memory_space<vmem_shared>> -> memref<100352x8xf32, #tpu.memory_space<vmem_shared>>
        tpu.enqueue_indirect_dma source(%dma_start3A_411 : memref<128x8xf32, #tpu.memory_space<vmem>>) target(%dma_start3A_417 : memref<100352x8xf32, #tpu.memory_space<vmem_shared>>) offsets(%dma_start3A_414 : memref<128xi32, #tpu.memory_space<vmem>>) semaphore(%arg14 : memref<!tpu.dma_semaphore, #tpu.memory_space<semaphore_mem>>) {add = true}
        %dma_start3A_418 = arith.constant 35 : i32
        %dma_start3A_419 = arith.constant 4480 : i32
        %dma_start3A_420 = arith.constant 0 : i32
        %dma_start3A_421 = tpu.memref_slice %arg12[%dma_start3A_419, %dma_start3A_420] : memref<5120x8xf32, #tpu.memory_space<vmem>> -> memref<128x8xf32, #tpu.memory_space<vmem>>
        %dma_start3A_422 = arith.constant 0 : i32
        %dma_start3A_423 = tpu.memref_slice %arg11[%dma_start3A_418, %dma_start3A_422] : memref<40x128xi32, #tpu.memory_space<vmem>> -> memref<1x128xi32, #tpu.memory_space<vmem>>
        %dma_start3A_424 = tpu.memref_squeeze %dma_start3A_423 : memref<1x128xi32, #tpu.memory_space<vmem>> -> memref<128xi32, #tpu.memory_space<vmem>>
        %dma_start3A_425 = arith.constant 0 : i32
        %dma_start3A_426 = arith.constant 0 : i32
        %dma_start3A_427 = tpu.memref_slice %arg8[%dma_start3A_425, %dma_start3A_426] : memref<100352x8xf32, #tpu.memory_space<vmem_shared>> -> memref<100352x8xf32, #tpu.memory_space<vmem_shared>>
        tpu.enqueue_indirect_dma source(%dma_start3A_421 : memref<128x8xf32, #tpu.memory_space<vmem>>) target(%dma_start3A_427 : memref<100352x8xf32, #tpu.memory_space<vmem_shared>>) offsets(%dma_start3A_424 : memref<128xi32, #tpu.memory_space<vmem>>) semaphore(%arg14 : memref<!tpu.dma_semaphore, #tpu.memory_space<semaphore_mem>>) {add = true}
        %dma_start3A_428 = arith.constant 36 : i32
        %dma_start3A_429 = arith.constant 4608 : i32
        %dma_start3A_430 = arith.constant 0 : i32
        %dma_start3A_431 = tpu.memref_slice %arg12[%dma_start3A_429, %dma_start3A_430] : memref<5120x8xf32, #tpu.memory_space<vmem>> -> memref<128x8xf32, #tpu.memory_space<vmem>>
        %dma_start3A_432 = arith.constant 0 : i32
        %dma_start3A_433 = tpu.memref_slice %arg11[%dma_start3A_428, %dma_start3A_432] : memref<40x128xi32, #tpu.memory_space<vmem>> -> memref<1x128xi32, #tpu.memory_space<vmem>>
        %dma_start3A_434 = tpu.memref_squeeze %dma_start3A_433 : memref<1x128xi32, #tpu.memory_space<vmem>> -> memref<128xi32, #tpu.memory_space<vmem>>
        %dma_start3A_435 = arith.constant 0 : i32
        %dma_start3A_436 = arith.constant 0 : i32
        %dma_start3A_437 = tpu.memref_slice %arg8[%dma_start3A_435, %dma_start3A_436] : memref<100352x8xf32, #tpu.memory_space<vmem_shared>> -> memref<100352x8xf32, #tpu.memory_space<vmem_shared>>
        tpu.enqueue_indirect_dma source(%dma_start3A_431 : memref<128x8xf32, #tpu.memory_space<vmem>>) target(%dma_start3A_437 : memref<100352x8xf32, #tpu.memory_space<vmem_shared>>) offsets(%dma_start3A_434 : memref<128xi32, #tpu.memory_space<vmem>>) semaphore(%arg14 : memref<!tpu.dma_semaphore, #tpu.memory_space<semaphore_mem>>) {add = true}
        %dma_start3A_438 = arith.constant 37 : i32
        %dma_start3A_439 = arith.constant 4736 : i32
        %dma_start3A_440 = arith.constant 0 : i32
        %dma_start3A_441 = tpu.memref_slice %arg12[%dma_start3A_439, %dma_start3A_440] : memref<5120x8xf32, #tpu.memory_space<vmem>> -> memref<128x8xf32, #tpu.memory_space<vmem>>
        %dma_start3A_442 = arith.constant 0 : i32
        %dma_start3A_443 = tpu.memref_slice %arg11[%dma_start3A_438, %dma_start3A_442] : memref<40x128xi32, #tpu.memory_space<vmem>> -> memref<1x128xi32, #tpu.memory_space<vmem>>
        %dma_start3A_444 = tpu.memref_squeeze %dma_start3A_443 : memref<1x128xi32, #tpu.memory_space<vmem>> -> memref<128xi32, #tpu.memory_space<vmem>>
        %dma_start3A_445 = arith.constant 0 : i32
        %dma_start3A_446 = arith.constant 0 : i32
        %dma_start3A_447 = tpu.memref_slice %arg8[%dma_start3A_445, %dma_start3A_446] : memref<100352x8xf32, #tpu.memory_space<vmem_shared>> -> memref<100352x8xf32, #tpu.memory_space<vmem_shared>>
        tpu.enqueue_indirect_dma source(%dma_start3A_441 : memref<128x8xf32, #tpu.memory_space<vmem>>) target(%dma_start3A_447 : memref<100352x8xf32, #tpu.memory_space<vmem_shared>>) offsets(%dma_start3A_444 : memref<128xi32, #tpu.memory_space<vmem>>) semaphore(%arg14 : memref<!tpu.dma_semaphore, #tpu.memory_space<semaphore_mem>>) {add = true}
        %dma_start3A_448 = arith.constant 38 : i32
        %dma_start3A_449 = arith.constant 4864 : i32
        %dma_start3A_450 = arith.constant 0 : i32
        %dma_start3A_451 = tpu.memref_slice %arg12[%dma_start3A_449, %dma_start3A_450] : memref<5120x8xf32, #tpu.memory_space<vmem>> -> memref<128x8xf32, #tpu.memory_space<vmem>>
        %dma_start3A_452 = arith.constant 0 : i32
        %dma_start3A_453 = tpu.memref_slice %arg11[%dma_start3A_448, %dma_start3A_452] : memref<40x128xi32, #tpu.memory_space<vmem>> -> memref<1x128xi32, #tpu.memory_space<vmem>>
        %dma_start3A_454 = tpu.memref_squeeze %dma_start3A_453 : memref<1x128xi32, #tpu.memory_space<vmem>> -> memref<128xi32, #tpu.memory_space<vmem>>
        %dma_start3A_455 = arith.constant 0 : i32
        %dma_start3A_456 = arith.constant 0 : i32
        %dma_start3A_457 = tpu.memref_slice %arg8[%dma_start3A_455, %dma_start3A_456] : memref<100352x8xf32, #tpu.memory_space<vmem_shared>> -> memref<100352x8xf32, #tpu.memory_space<vmem_shared>>
        tpu.enqueue_indirect_dma source(%dma_start3A_451 : memref<128x8xf32, #tpu.memory_space<vmem>>) target(%dma_start3A_457 : memref<100352x8xf32, #tpu.memory_space<vmem_shared>>) offsets(%dma_start3A_454 : memref<128xi32, #tpu.memory_space<vmem>>) semaphore(%arg14 : memref<!tpu.dma_semaphore, #tpu.memory_space<semaphore_mem>>) {add = true}
        %dma_start3A_458 = arith.constant 39 : i32
        %dma_start3A_459 = arith.constant 4992 : i32
        %dma_start3A_460 = arith.constant 0 : i32
        %dma_start3A_461 = tpu.memref_slice %arg12[%dma_start3A_459, %dma_start3A_460] : memref<5120x8xf32, #tpu.memory_space<vmem>> -> memref<128x8xf32, #tpu.memory_space<vmem>>
        %dma_start3A_462 = arith.constant 0 : i32
        %dma_start3A_463 = tpu.memref_slice %arg11[%dma_start3A_458, %dma_start3A_462] : memref<40x128xi32, #tpu.memory_space<vmem>> -> memref<1x128xi32, #tpu.memory_space<vmem>>
        %dma_start3A_464 = tpu.memref_squeeze %dma_start3A_463 : memref<1x128xi32, #tpu.memory_space<vmem>> -> memref<128xi32, #tpu.memory_space<vmem>>
        %dma_start3A_465 = arith.constant 0 : i32
        %dma_start3A_466 = arith.constant 0 : i32
        %dma_start3A_467 = tpu.memref_slice %arg8[%dma_start3A_465, %dma_start3A_466] : memref<100352x8xf32, #tpu.memory_space<vmem_shared>> -> memref<100352x8xf32, #tpu.memory_space<vmem_shared>>
        tpu.enqueue_indirect_dma source(%dma_start3A_461 : memref<128x8xf32, #tpu.memory_space<vmem>>) target(%dma_start3A_467 : memref<100352x8xf32, #tpu.memory_space<vmem_shared>>) offsets(%dma_start3A_464 : memref<128xi32, #tpu.memory_space<vmem>>) semaphore(%arg14 : memref<!tpu.dma_semaphore, #tpu.memory_space<semaphore_mem>>) {add = true}
        %dma_wait3A = arith.constant 0 : i32
        %dma_wait3A_468 = arith.constant 0 : i32
        %dma_wait3A_469 = arith.constant 0 : i32
        %dma_wait3A_470 = tpu.memref_slice %arg12[%dma_wait3A_468, %dma_wait3A_469] : memref<5120x8xf32, #tpu.memory_space<vmem>> -> memref<128x8xf32, #tpu.memory_space<vmem>>
        %dma_wait3A_471 = arith.constant 0 : i32
        %dma_wait3A_472 = tpu.memref_slice %arg11[%dma_wait3A, %dma_wait3A_471] : memref<40x128xi32, #tpu.memory_space<vmem>> -> memref<1x128xi32, #tpu.memory_space<vmem>>
        %dma_wait3A_473 = tpu.memref_squeeze %dma_wait3A_472 : memref<1x128xi32, #tpu.memory_space<vmem>> -> memref<128xi32, #tpu.memory_space<vmem>>
        %dma_wait3A_474 = arith.constant 0 : i32
        %dma_wait3A_475 = arith.constant 0 : i32
        %dma_wait3A_476 = tpu.memref_slice %arg8[%dma_wait3A_474, %dma_wait3A_475] : memref<100352x8xf32, #tpu.memory_space<vmem_shared>> -> memref<100352x8xf32, #tpu.memory_space<vmem_shared>>
        tpu.wait_indirect_dma semaphore(%arg14 : memref<!tpu.dma_semaphore, #tpu.memory_space<semaphore_mem>>) src(%dma_wait3A_470 : memref<128x8xf32, #tpu.memory_space<vmem>>) dst(%dma_wait3A_476 : memref<100352x8xf32, #tpu.memory_space<vmem_shared>>)
        %dma_wait3A_477 = arith.constant 1 : i32
        %dma_wait3A_478 = arith.constant 128 : i32
        %dma_wait3A_479 = arith.constant 0 : i32
        %dma_wait3A_480 = tpu.memref_slice %arg12[%dma_wait3A_478, %dma_wait3A_479] : memref<5120x8xf32, #tpu.memory_space<vmem>> -> memref<128x8xf32, #tpu.memory_space<vmem>>
        %dma_wait3A_481 = arith.constant 0 : i32
        %dma_wait3A_482 = tpu.memref_slice %arg11[%dma_wait3A_477, %dma_wait3A_481] : memref<40x128xi32, #tpu.memory_space<vmem>> -> memref<1x128xi32, #tpu.memory_space<vmem>>
        %dma_wait3A_483 = tpu.memref_squeeze %dma_wait3A_482 : memref<1x128xi32, #tpu.memory_space<vmem>> -> memref<128xi32, #tpu.memory_space<vmem>>
        %dma_wait3A_484 = arith.constant 0 : i32
        %dma_wait3A_485 = arith.constant 0 : i32
        %dma_wait3A_486 = tpu.memref_slice %arg8[%dma_wait3A_484, %dma_wait3A_485] : memref<100352x8xf32, #tpu.memory_space<vmem_shared>> -> memref<100352x8xf32, #tpu.memory_space<vmem_shared>>
        tpu.wait_indirect_dma semaphore(%arg14 : memref<!tpu.dma_semaphore, #tpu.memory_space<semaphore_mem>>) src(%dma_wait3A_480 : memref<128x8xf32, #tpu.memory_space<vmem>>) dst(%dma_wait3A_486 : memref<100352x8xf32, #tpu.memory_space<vmem_shared>>)
        %dma_wait3A_487 = arith.constant 2 : i32
        %dma_wait3A_488 = arith.constant 256 : i32
        %dma_wait3A_489 = arith.constant 0 : i32
        %dma_wait3A_490 = tpu.memref_slice %arg12[%dma_wait3A_488, %dma_wait3A_489] : memref<5120x8xf32, #tpu.memory_space<vmem>> -> memref<128x8xf32, #tpu.memory_space<vmem>>
        %dma_wait3A_491 = arith.constant 0 : i32
        %dma_wait3A_492 = tpu.memref_slice %arg11[%dma_wait3A_487, %dma_wait3A_491] : memref<40x128xi32, #tpu.memory_space<vmem>> -> memref<1x128xi32, #tpu.memory_space<vmem>>
        %dma_wait3A_493 = tpu.memref_squeeze %dma_wait3A_492 : memref<1x128xi32, #tpu.memory_space<vmem>> -> memref<128xi32, #tpu.memory_space<vmem>>
        %dma_wait3A_494 = arith.constant 0 : i32
        %dma_wait3A_495 = arith.constant 0 : i32
        %dma_wait3A_496 = tpu.memref_slice %arg8[%dma_wait3A_494, %dma_wait3A_495] : memref<100352x8xf32, #tpu.memory_space<vmem_shared>> -> memref<100352x8xf32, #tpu.memory_space<vmem_shared>>
        tpu.wait_indirect_dma semaphore(%arg14 : memref<!tpu.dma_semaphore, #tpu.memory_space<semaphore_mem>>) src(%dma_wait3A_490 : memref<128x8xf32, #tpu.memory_space<vmem>>) dst(%dma_wait3A_496 : memref<100352x8xf32, #tpu.memory_space<vmem_shared>>)
        %dma_wait3A_497 = arith.constant 3 : i32
        %dma_wait3A_498 = arith.constant 384 : i32
        %dma_wait3A_499 = arith.constant 0 : i32
        %dma_wait3A_500 = tpu.memref_slice %arg12[%dma_wait3A_498, %dma_wait3A_499] : memref<5120x8xf32, #tpu.memory_space<vmem>> -> memref<128x8xf32, #tpu.memory_space<vmem>>
        %dma_wait3A_501 = arith.constant 0 : i32
        %dma_wait3A_502 = tpu.memref_slice %arg11[%dma_wait3A_497, %dma_wait3A_501] : memref<40x128xi32, #tpu.memory_space<vmem>> -> memref<1x128xi32, #tpu.memory_space<vmem>>
        %dma_wait3A_503 = tpu.memref_squeeze %dma_wait3A_502 : memref<1x128xi32, #tpu.memory_space<vmem>> -> memref<128xi32, #tpu.memory_space<vmem>>
        %dma_wait3A_504 = arith.constant 0 : i32
        %dma_wait3A_505 = arith.constant 0 : i32
        %dma_wait3A_506 = tpu.memref_slice %arg8[%dma_wait3A_504, %dma_wait3A_505] : memref<100352x8xf32, #tpu.memory_space<vmem_shared>> -> memref<100352x8xf32, #tpu.memory_space<vmem_shared>>
        tpu.wait_indirect_dma semaphore(%arg14 : memref<!tpu.dma_semaphore, #tpu.memory_space<semaphore_mem>>) src(%dma_wait3A_500 : memref<128x8xf32, #tpu.memory_space<vmem>>) dst(%dma_wait3A_506 : memref<100352x8xf32, #tpu.memory_space<vmem_shared>>)
        %dma_wait3A_507 = arith.constant 4 : i32
        %dma_wait3A_508 = arith.constant 512 : i32
        %dma_wait3A_509 = arith.constant 0 : i32
        %dma_wait3A_510 = tpu.memref_slice %arg12[%dma_wait3A_508, %dma_wait3A_509] : memref<5120x8xf32, #tpu.memory_space<vmem>> -> memref<128x8xf32, #tpu.memory_space<vmem>>
        %dma_wait3A_511 = arith.constant 0 : i32
        %dma_wait3A_512 = tpu.memref_slice %arg11[%dma_wait3A_507, %dma_wait3A_511] : memref<40x128xi32, #tpu.memory_space<vmem>> -> memref<1x128xi32, #tpu.memory_space<vmem>>
        %dma_wait3A_513 = tpu.memref_squeeze %dma_wait3A_512 : memref<1x128xi32, #tpu.memory_space<vmem>> -> memref<128xi32, #tpu.memory_space<vmem>>
        %dma_wait3A_514 = arith.constant 0 : i32
        %dma_wait3A_515 = arith.constant 0 : i32
        %dma_wait3A_516 = tpu.memref_slice %arg8[%dma_wait3A_514, %dma_wait3A_515] : memref<100352x8xf32, #tpu.memory_space<vmem_shared>> -> memref<100352x8xf32, #tpu.memory_space<vmem_shared>>
        tpu.wait_indirect_dma semaphore(%arg14 : memref<!tpu.dma_semaphore, #tpu.memory_space<semaphore_mem>>) src(%dma_wait3A_510 : memref<128x8xf32, #tpu.memory_space<vmem>>) dst(%dma_wait3A_516 : memref<100352x8xf32, #tpu.memory_space<vmem_shared>>)
        %dma_wait3A_517 = arith.constant 5 : i32
        %dma_wait3A_518 = arith.constant 640 : i32
        %dma_wait3A_519 = arith.constant 0 : i32
        %dma_wait3A_520 = tpu.memref_slice %arg12[%dma_wait3A_518, %dma_wait3A_519] : memref<5120x8xf32, #tpu.memory_space<vmem>> -> memref<128x8xf32, #tpu.memory_space<vmem>>
        %dma_wait3A_521 = arith.constant 0 : i32
        %dma_wait3A_522 = tpu.memref_slice %arg11[%dma_wait3A_517, %dma_wait3A_521] : memref<40x128xi32, #tpu.memory_space<vmem>> -> memref<1x128xi32, #tpu.memory_space<vmem>>
        %dma_wait3A_523 = tpu.memref_squeeze %dma_wait3A_522 : memref<1x128xi32, #tpu.memory_space<vmem>> -> memref<128xi32, #tpu.memory_space<vmem>>
        %dma_wait3A_524 = arith.constant 0 : i32
        %dma_wait3A_525 = arith.constant 0 : i32
        %dma_wait3A_526 = tpu.memref_slice %arg8[%dma_wait3A_524, %dma_wait3A_525] : memref<100352x8xf32, #tpu.memory_space<vmem_shared>> -> memref<100352x8xf32, #tpu.memory_space<vmem_shared>>
        tpu.wait_indirect_dma semaphore(%arg14 : memref<!tpu.dma_semaphore, #tpu.memory_space<semaphore_mem>>) src(%dma_wait3A_520 : memref<128x8xf32, #tpu.memory_space<vmem>>) dst(%dma_wait3A_526 : memref<100352x8xf32, #tpu.memory_space<vmem_shared>>)
        %dma_wait3A_527 = arith.constant 6 : i32
        %dma_wait3A_528 = arith.constant 768 : i32
        %dma_wait3A_529 = arith.constant 0 : i32
        %dma_wait3A_530 = tpu.memref_slice %arg12[%dma_wait3A_528, %dma_wait3A_529] : memref<5120x8xf32, #tpu.memory_space<vmem>> -> memref<128x8xf32, #tpu.memory_space<vmem>>
        %dma_wait3A_531 = arith.constant 0 : i32
        %dma_wait3A_532 = tpu.memref_slice %arg11[%dma_wait3A_527, %dma_wait3A_531] : memref<40x128xi32, #tpu.memory_space<vmem>> -> memref<1x128xi32, #tpu.memory_space<vmem>>
        %dma_wait3A_533 = tpu.memref_squeeze %dma_wait3A_532 : memref<1x128xi32, #tpu.memory_space<vmem>> -> memref<128xi32, #tpu.memory_space<vmem>>
        %dma_wait3A_534 = arith.constant 0 : i32
        %dma_wait3A_535 = arith.constant 0 : i32
        %dma_wait3A_536 = tpu.memref_slice %arg8[%dma_wait3A_534, %dma_wait3A_535] : memref<100352x8xf32, #tpu.memory_space<vmem_shared>> -> memref<100352x8xf32, #tpu.memory_space<vmem_shared>>
        tpu.wait_indirect_dma semaphore(%arg14 : memref<!tpu.dma_semaphore, #tpu.memory_space<semaphore_mem>>) src(%dma_wait3A_530 : memref<128x8xf32, #tpu.memory_space<vmem>>) dst(%dma_wait3A_536 : memref<100352x8xf32, #tpu.memory_space<vmem_shared>>)
        %dma_wait3A_537 = arith.constant 7 : i32
        %dma_wait3A_538 = arith.constant 896 : i32
        %dma_wait3A_539 = arith.constant 0 : i32
        %dma_wait3A_540 = tpu.memref_slice %arg12[%dma_wait3A_538, %dma_wait3A_539] : memref<5120x8xf32, #tpu.memory_space<vmem>> -> memref<128x8xf32, #tpu.memory_space<vmem>>
        %dma_wait3A_541 = arith.constant 0 : i32
        %dma_wait3A_542 = tpu.memref_slice %arg11[%dma_wait3A_537, %dma_wait3A_541] : memref<40x128xi32, #tpu.memory_space<vmem>> -> memref<1x128xi32, #tpu.memory_space<vmem>>
        %dma_wait3A_543 = tpu.memref_squeeze %dma_wait3A_542 : memref<1x128xi32, #tpu.memory_space<vmem>> -> memref<128xi32, #tpu.memory_space<vmem>>
        %dma_wait3A_544 = arith.constant 0 : i32
        %dma_wait3A_545 = arith.constant 0 : i32
        %dma_wait3A_546 = tpu.memref_slice %arg8[%dma_wait3A_544, %dma_wait3A_545] : memref<100352x8xf32, #tpu.memory_space<vmem_shared>> -> memref<100352x8xf32, #tpu.memory_space<vmem_shared>>
        tpu.wait_indirect_dma semaphore(%arg14 : memref<!tpu.dma_semaphore, #tpu.memory_space<semaphore_mem>>) src(%dma_wait3A_540 : memref<128x8xf32, #tpu.memory_space<vmem>>) dst(%dma_wait3A_546 : memref<100352x8xf32, #tpu.memory_space<vmem_shared>>)
        %dma_wait3A_547 = arith.constant 8 : i32
        %dma_wait3A_548 = arith.constant 1024 : i32
        %dma_wait3A_549 = arith.constant 0 : i32
        %dma_wait3A_550 = tpu.memref_slice %arg12[%dma_wait3A_548, %dma_wait3A_549] : memref<5120x8xf32, #tpu.memory_space<vmem>> -> memref<128x8xf32, #tpu.memory_space<vmem>>
        %dma_wait3A_551 = arith.constant 0 : i32
        %dma_wait3A_552 = tpu.memref_slice %arg11[%dma_wait3A_547, %dma_wait3A_551] : memref<40x128xi32, #tpu.memory_space<vmem>> -> memref<1x128xi32, #tpu.memory_space<vmem>>
        %dma_wait3A_553 = tpu.memref_squeeze %dma_wait3A_552 : memref<1x128xi32, #tpu.memory_space<vmem>> -> memref<128xi32, #tpu.memory_space<vmem>>
        %dma_wait3A_554 = arith.constant 0 : i32
        %dma_wait3A_555 = arith.constant 0 : i32
        %dma_wait3A_556 = tpu.memref_slice %arg8[%dma_wait3A_554, %dma_wait3A_555] : memref<100352x8xf32, #tpu.memory_space<vmem_shared>> -> memref<100352x8xf32, #tpu.memory_space<vmem_shared>>
        tpu.wait_indirect_dma semaphore(%arg14 : memref<!tpu.dma_semaphore, #tpu.memory_space<semaphore_mem>>) src(%dma_wait3A_550 : memref<128x8xf32, #tpu.memory_space<vmem>>) dst(%dma_wait3A_556 : memref<100352x8xf32, #tpu.memory_space<vmem_shared>>)
        %dma_wait3A_557 = arith.constant 9 : i32
        %dma_wait3A_558 = arith.constant 1152 : i32
        %dma_wait3A_559 = arith.constant 0 : i32
        %dma_wait3A_560 = tpu.memref_slice %arg12[%dma_wait3A_558, %dma_wait3A_559] : memref<5120x8xf32, #tpu.memory_space<vmem>> -> memref<128x8xf32, #tpu.memory_space<vmem>>
        %dma_wait3A_561 = arith.constant 0 : i32
        %dma_wait3A_562 = tpu.memref_slice %arg11[%dma_wait3A_557, %dma_wait3A_561] : memref<40x128xi32, #tpu.memory_space<vmem>> -> memref<1x128xi32, #tpu.memory_space<vmem>>
        %dma_wait3A_563 = tpu.memref_squeeze %dma_wait3A_562 : memref<1x128xi32, #tpu.memory_space<vmem>> -> memref<128xi32, #tpu.memory_space<vmem>>
        %dma_wait3A_564 = arith.constant 0 : i32
        %dma_wait3A_565 = arith.constant 0 : i32
        %dma_wait3A_566 = tpu.memref_slice %arg8[%dma_wait3A_564, %dma_wait3A_565] : memref<100352x8xf32, #tpu.memory_space<vmem_shared>> -> memref<100352x8xf32, #tpu.memory_space<vmem_shared>>
        tpu.wait_indirect_dma semaphore(%arg14 : memref<!tpu.dma_semaphore, #tpu.memory_space<semaphore_mem>>) src(%dma_wait3A_560 : memref<128x8xf32, #tpu.memory_space<vmem>>) dst(%dma_wait3A_566 : memref<100352x8xf32, #tpu.memory_space<vmem_shared>>)
        %dma_wait3A_567 = arith.constant 10 : i32
        %dma_wait3A_568 = arith.constant 1280 : i32
        %dma_wait3A_569 = arith.constant 0 : i32
        %dma_wait3A_570 = tpu.memref_slice %arg12[%dma_wait3A_568, %dma_wait3A_569] : memref<5120x8xf32, #tpu.memory_space<vmem>> -> memref<128x8xf32, #tpu.memory_space<vmem>>
        %dma_wait3A_571 = arith.constant 0 : i32
        %dma_wait3A_572 = tpu.memref_slice %arg11[%dma_wait3A_567, %dma_wait3A_571] : memref<40x128xi32, #tpu.memory_space<vmem>> -> memref<1x128xi32, #tpu.memory_space<vmem>>
        %dma_wait3A_573 = tpu.memref_squeeze %dma_wait3A_572 : memref<1x128xi32, #tpu.memory_space<vmem>> -> memref<128xi32, #tpu.memory_space<vmem>>
        %dma_wait3A_574 = arith.constant 0 : i32
        %dma_wait3A_575 = arith.constant 0 : i32
        %dma_wait3A_576 = tpu.memref_slice %arg8[%dma_wait3A_574, %dma_wait3A_575] : memref<100352x8xf32, #tpu.memory_space<vmem_shared>> -> memref<100352x8xf32, #tpu.memory_space<vmem_shared>>
        tpu.wait_indirect_dma semaphore(%arg14 : memref<!tpu.dma_semaphore, #tpu.memory_space<semaphore_mem>>) src(%dma_wait3A_570 : memref<128x8xf32, #tpu.memory_space<vmem>>) dst(%dma_wait3A_576 : memref<100352x8xf32, #tpu.memory_space<vmem_shared>>)
        %dma_wait3A_577 = arith.constant 11 : i32
        %dma_wait3A_578 = arith.constant 1408 : i32
        %dma_wait3A_579 = arith.constant 0 : i32
        %dma_wait3A_580 = tpu.memref_slice %arg12[%dma_wait3A_578, %dma_wait3A_579] : memref<5120x8xf32, #tpu.memory_space<vmem>> -> memref<128x8xf32, #tpu.memory_space<vmem>>
        %dma_wait3A_581 = arith.constant 0 : i32
        %dma_wait3A_582 = tpu.memref_slice %arg11[%dma_wait3A_577, %dma_wait3A_581] : memref<40x128xi32, #tpu.memory_space<vmem>> -> memref<1x128xi32, #tpu.memory_space<vmem>>
        %dma_wait3A_583 = tpu.memref_squeeze %dma_wait3A_582 : memref<1x128xi32, #tpu.memory_space<vmem>> -> memref<128xi32, #tpu.memory_space<vmem>>
        %dma_wait3A_584 = arith.constant 0 : i32
        %dma_wait3A_585 = arith.constant 0 : i32
        %dma_wait3A_586 = tpu.memref_slice %arg8[%dma_wait3A_584, %dma_wait3A_585] : memref<100352x8xf32, #tpu.memory_space<vmem_shared>> -> memref<100352x8xf32, #tpu.memory_space<vmem_shared>>
        tpu.wait_indirect_dma semaphore(%arg14 : memref<!tpu.dma_semaphore, #tpu.memory_space<semaphore_mem>>) src(%dma_wait3A_580 : memref<128x8xf32, #tpu.memory_space<vmem>>) dst(%dma_wait3A_586 : memref<100352x8xf32, #tpu.memory_space<vmem_shared>>)
        %dma_wait3A_587 = arith.constant 12 : i32
        %dma_wait3A_588 = arith.constant 1536 : i32
        %dma_wait3A_589 = arith.constant 0 : i32
        %dma_wait3A_590 = tpu.memref_slice %arg12[%dma_wait3A_588, %dma_wait3A_589] : memref<5120x8xf32, #tpu.memory_space<vmem>> -> memref<128x8xf32, #tpu.memory_space<vmem>>
        %dma_wait3A_591 = arith.constant 0 : i32
        %dma_wait3A_592 = tpu.memref_slice %arg11[%dma_wait3A_587, %dma_wait3A_591] : memref<40x128xi32, #tpu.memory_space<vmem>> -> memref<1x128xi32, #tpu.memory_space<vmem>>
        %dma_wait3A_593 = tpu.memref_squeeze %dma_wait3A_592 : memref<1x128xi32, #tpu.memory_space<vmem>> -> memref<128xi32, #tpu.memory_space<vmem>>
        %dma_wait3A_594 = arith.constant 0 : i32
        %dma_wait3A_595 = arith.constant 0 : i32
        %dma_wait3A_596 = tpu.memref_slice %arg8[%dma_wait3A_594, %dma_wait3A_595] : memref<100352x8xf32, #tpu.memory_space<vmem_shared>> -> memref<100352x8xf32, #tpu.memory_space<vmem_shared>>
        tpu.wait_indirect_dma semaphore(%arg14 : memref<!tpu.dma_semaphore, #tpu.memory_space<semaphore_mem>>) src(%dma_wait3A_590 : memref<128x8xf32, #tpu.memory_space<vmem>>) dst(%dma_wait3A_596 : memref<100352x8xf32, #tpu.memory_space<vmem_shared>>)
        %dma_wait3A_597 = arith.constant 13 : i32
        %dma_wait3A_598 = arith.constant 1664 : i32
        %dma_wait3A_599 = arith.constant 0 : i32
        %dma_wait3A_600 = tpu.memref_slice %arg12[%dma_wait3A_598, %dma_wait3A_599] : memref<5120x8xf32, #tpu.memory_space<vmem>> -> memref<128x8xf32, #tpu.memory_space<vmem>>
        %dma_wait3A_601 = arith.constant 0 : i32
        %dma_wait3A_602 = tpu.memref_slice %arg11[%dma_wait3A_597, %dma_wait3A_601] : memref<40x128xi32, #tpu.memory_space<vmem>> -> memref<1x128xi32, #tpu.memory_space<vmem>>
        %dma_wait3A_603 = tpu.memref_squeeze %dma_wait3A_602 : memref<1x128xi32, #tpu.memory_space<vmem>> -> memref<128xi32, #tpu.memory_space<vmem>>
        %dma_wait3A_604 = arith.constant 0 : i32
        %dma_wait3A_605 = arith.constant 0 : i32
        %dma_wait3A_606 = tpu.memref_slice %arg8[%dma_wait3A_604, %dma_wait3A_605] : memref<100352x8xf32, #tpu.memory_space<vmem_shared>> -> memref<100352x8xf32, #tpu.memory_space<vmem_shared>>
        tpu.wait_indirect_dma semaphore(%arg14 : memref<!tpu.dma_semaphore, #tpu.memory_space<semaphore_mem>>) src(%dma_wait3A_600 : memref<128x8xf32, #tpu.memory_space<vmem>>) dst(%dma_wait3A_606 : memref<100352x8xf32, #tpu.memory_space<vmem_shared>>)
        %dma_wait3A_607 = arith.constant 14 : i32
        %dma_wait3A_608 = arith.constant 1792 : i32
        %dma_wait3A_609 = arith.constant 0 : i32
        %dma_wait3A_610 = tpu.memref_slice %arg12[%dma_wait3A_608, %dma_wait3A_609] : memref<5120x8xf32, #tpu.memory_space<vmem>> -> memref<128x8xf32, #tpu.memory_space<vmem>>
        %dma_wait3A_611 = arith.constant 0 : i32
        %dma_wait3A_612 = tpu.memref_slice %arg11[%dma_wait3A_607, %dma_wait3A_611] : memref<40x128xi32, #tpu.memory_space<vmem>> -> memref<1x128xi32, #tpu.memory_space<vmem>>
        %dma_wait3A_613 = tpu.memref_squeeze %dma_wait3A_612 : memref<1x128xi32, #tpu.memory_space<vmem>> -> memref<128xi32, #tpu.memory_space<vmem>>
        %dma_wait3A_614 = arith.constant 0 : i32
        %dma_wait3A_615 = arith.constant 0 : i32
        %dma_wait3A_616 = tpu.memref_slice %arg8[%dma_wait3A_614, %dma_wait3A_615] : memref<100352x8xf32, #tpu.memory_space<vmem_shared>> -> memref<100352x8xf32, #tpu.memory_space<vmem_shared>>
        tpu.wait_indirect_dma semaphore(%arg14 : memref<!tpu.dma_semaphore, #tpu.memory_space<semaphore_mem>>) src(%dma_wait3A_610 : memref<128x8xf32, #tpu.memory_space<vmem>>) dst(%dma_wait3A_616 : memref<100352x8xf32, #tpu.memory_space<vmem_shared>>)
        %dma_wait3A_617 = arith.constant 15 : i32
        %dma_wait3A_618 = arith.constant 1920 : i32
        %dma_wait3A_619 = arith.constant 0 : i32
        %dma_wait3A_620 = tpu.memref_slice %arg12[%dma_wait3A_618, %dma_wait3A_619] : memref<5120x8xf32, #tpu.memory_space<vmem>> -> memref<128x8xf32, #tpu.memory_space<vmem>>
        %dma_wait3A_621 = arith.constant 0 : i32
        %dma_wait3A_622 = tpu.memref_slice %arg11[%dma_wait3A_617, %dma_wait3A_621] : memref<40x128xi32, #tpu.memory_space<vmem>> -> memref<1x128xi32, #tpu.memory_space<vmem>>
        %dma_wait3A_623 = tpu.memref_squeeze %dma_wait3A_622 : memref<1x128xi32, #tpu.memory_space<vmem>> -> memref<128xi32, #tpu.memory_space<vmem>>
        %dma_wait3A_624 = arith.constant 0 : i32
        %dma_wait3A_625 = arith.constant 0 : i32
        %dma_wait3A_626 = tpu.memref_slice %arg8[%dma_wait3A_624, %dma_wait3A_625] : memref<100352x8xf32, #tpu.memory_space<vmem_shared>> -> memref<100352x8xf32, #tpu.memory_space<vmem_shared>>
        tpu.wait_indirect_dma semaphore(%arg14 : memref<!tpu.dma_semaphore, #tpu.memory_space<semaphore_mem>>) src(%dma_wait3A_620 : memref<128x8xf32, #tpu.memory_space<vmem>>) dst(%dma_wait3A_626 : memref<100352x8xf32, #tpu.memory_space<vmem_shared>>)
        %dma_wait3A_627 = arith.constant 16 : i32
        %dma_wait3A_628 = arith.constant 2048 : i32
        %dma_wait3A_629 = arith.constant 0 : i32
        %dma_wait3A_630 = tpu.memref_slice %arg12[%dma_wait3A_628, %dma_wait3A_629] : memref<5120x8xf32, #tpu.memory_space<vmem>> -> memref<128x8xf32, #tpu.memory_space<vmem>>
        %dma_wait3A_631 = arith.constant 0 : i32
        %dma_wait3A_632 = tpu.memref_slice %arg11[%dma_wait3A_627, %dma_wait3A_631] : memref<40x128xi32, #tpu.memory_space<vmem>> -> memref<1x128xi32, #tpu.memory_space<vmem>>
        %dma_wait3A_633 = tpu.memref_squeeze %dma_wait3A_632 : memref<1x128xi32, #tpu.memory_space<vmem>> -> memref<128xi32, #tpu.memory_space<vmem>>
        %dma_wait3A_634 = arith.constant 0 : i32
        %dma_wait3A_635 = arith.constant 0 : i32
        %dma_wait3A_636 = tpu.memref_slice %arg8[%dma_wait3A_634, %dma_wait3A_635] : memref<100352x8xf32, #tpu.memory_space<vmem_shared>> -> memref<100352x8xf32, #tpu.memory_space<vmem_shared>>
        tpu.wait_indirect_dma semaphore(%arg14 : memref<!tpu.dma_semaphore, #tpu.memory_space<semaphore_mem>>) src(%dma_wait3A_630 : memref<128x8xf32, #tpu.memory_space<vmem>>) dst(%dma_wait3A_636 : memref<100352x8xf32, #tpu.memory_space<vmem_shared>>)
        %dma_wait3A_637 = arith.constant 17 : i32
        %dma_wait3A_638 = arith.constant 2176 : i32
        %dma_wait3A_639 = arith.constant 0 : i32
        %dma_wait3A_640 = tpu.memref_slice %arg12[%dma_wait3A_638, %dma_wait3A_639] : memref<5120x8xf32, #tpu.memory_space<vmem>> -> memref<128x8xf32, #tpu.memory_space<vmem>>
        %dma_wait3A_641 = arith.constant 0 : i32
        %dma_wait3A_642 = tpu.memref_slice %arg11[%dma_wait3A_637, %dma_wait3A_641] : memref<40x128xi32, #tpu.memory_space<vmem>> -> memref<1x128xi32, #tpu.memory_space<vmem>>
        %dma_wait3A_643 = tpu.memref_squeeze %dma_wait3A_642 : memref<1x128xi32, #tpu.memory_space<vmem>> -> memref<128xi32, #tpu.memory_space<vmem>>
        %dma_wait3A_644 = arith.constant 0 : i32
        %dma_wait3A_645 = arith.constant 0 : i32
        %dma_wait3A_646 = tpu.memref_slice %arg8[%dma_wait3A_644, %dma_wait3A_645] : memref<100352x8xf32, #tpu.memory_space<vmem_shared>> -> memref<100352x8xf32, #tpu.memory_space<vmem_shared>>
        tpu.wait_indirect_dma semaphore(%arg14 : memref<!tpu.dma_semaphore, #tpu.memory_space<semaphore_mem>>) src(%dma_wait3A_640 : memref<128x8xf32, #tpu.memory_space<vmem>>) dst(%dma_wait3A_646 : memref<100352x8xf32, #tpu.memory_space<vmem_shared>>)
        %dma_wait3A_647 = arith.constant 18 : i32
        %dma_wait3A_648 = arith.constant 2304 : i32
        %dma_wait3A_649 = arith.constant 0 : i32
        %dma_wait3A_650 = tpu.memref_slice %arg12[%dma_wait3A_648, %dma_wait3A_649] : memref<5120x8xf32, #tpu.memory_space<vmem>> -> memref<128x8xf32, #tpu.memory_space<vmem>>
        %dma_wait3A_651 = arith.constant 0 : i32
        %dma_wait3A_652 = tpu.memref_slice %arg11[%dma_wait3A_647, %dma_wait3A_651] : memref<40x128xi32, #tpu.memory_space<vmem>> -> memref<1x128xi32, #tpu.memory_space<vmem>>
        %dma_wait3A_653 = tpu.memref_squeeze %dma_wait3A_652 : memref<1x128xi32, #tpu.memory_space<vmem>> -> memref<128xi32, #tpu.memory_space<vmem>>
        %dma_wait3A_654 = arith.constant 0 : i32
        %dma_wait3A_655 = arith.constant 0 : i32
        %dma_wait3A_656 = tpu.memref_slice %arg8[%dma_wait3A_654, %dma_wait3A_655] : memref<100352x8xf32, #tpu.memory_space<vmem_shared>> -> memref<100352x8xf32, #tpu.memory_space<vmem_shared>>
        tpu.wait_indirect_dma semaphore(%arg14 : memref<!tpu.dma_semaphore, #tpu.memory_space<semaphore_mem>>) src(%dma_wait3A_650 : memref<128x8xf32, #tpu.memory_space<vmem>>) dst(%dma_wait3A_656 : memref<100352x8xf32, #tpu.memory_space<vmem_shared>>)
        %dma_wait3A_657 = arith.constant 19 : i32
        %dma_wait3A_658 = arith.constant 2432 : i32
        %dma_wait3A_659 = arith.constant 0 : i32
        %dma_wait3A_660 = tpu.memref_slice %arg12[%dma_wait3A_658, %dma_wait3A_659] : memref<5120x8xf32, #tpu.memory_space<vmem>> -> memref<128x8xf32, #tpu.memory_space<vmem>>
        %dma_wait3A_661 = arith.constant 0 : i32
        %dma_wait3A_662 = tpu.memref_slice %arg11[%dma_wait3A_657, %dma_wait3A_661] : memref<40x128xi32, #tpu.memory_space<vmem>> -> memref<1x128xi32, #tpu.memory_space<vmem>>
        %dma_wait3A_663 = tpu.memref_squeeze %dma_wait3A_662 : memref<1x128xi32, #tpu.memory_space<vmem>> -> memref<128xi32, #tpu.memory_space<vmem>>
        %dma_wait3A_664 = arith.constant 0 : i32
        %dma_wait3A_665 = arith.constant 0 : i32
        %dma_wait3A_666 = tpu.memref_slice %arg8[%dma_wait3A_664, %dma_wait3A_665] : memref<100352x8xf32, #tpu.memory_space<vmem_shared>> -> memref<100352x8xf32, #tpu.memory_space<vmem_shared>>
        tpu.wait_indirect_dma semaphore(%arg14 : memref<!tpu.dma_semaphore, #tpu.memory_space<semaphore_mem>>) src(%dma_wait3A_660 : memref<128x8xf32, #tpu.memory_space<vmem>>) dst(%dma_wait3A_666 : memref<100352x8xf32, #tpu.memory_space<vmem_shared>>)
        %dma_wait3A_667 = arith.constant 20 : i32
        %dma_wait3A_668 = arith.constant 2560 : i32
        %dma_wait3A_669 = arith.constant 0 : i32
        %dma_wait3A_670 = tpu.memref_slice %arg12[%dma_wait3A_668, %dma_wait3A_669] : memref<5120x8xf32, #tpu.memory_space<vmem>> -> memref<128x8xf32, #tpu.memory_space<vmem>>
        %dma_wait3A_671 = arith.constant 0 : i32
        %dma_wait3A_672 = tpu.memref_slice %arg11[%dma_wait3A_667, %dma_wait3A_671] : memref<40x128xi32, #tpu.memory_space<vmem>> -> memref<1x128xi32, #tpu.memory_space<vmem>>
        %dma_wait3A_673 = tpu.memref_squeeze %dma_wait3A_672 : memref<1x128xi32, #tpu.memory_space<vmem>> -> memref<128xi32, #tpu.memory_space<vmem>>
        %dma_wait3A_674 = arith.constant 0 : i32
        %dma_wait3A_675 = arith.constant 0 : i32
        %dma_wait3A_676 = tpu.memref_slice %arg8[%dma_wait3A_674, %dma_wait3A_675] : memref<100352x8xf32, #tpu.memory_space<vmem_shared>> -> memref<100352x8xf32, #tpu.memory_space<vmem_shared>>
        tpu.wait_indirect_dma semaphore(%arg14 : memref<!tpu.dma_semaphore, #tpu.memory_space<semaphore_mem>>) src(%dma_wait3A_670 : memref<128x8xf32, #tpu.memory_space<vmem>>) dst(%dma_wait3A_676 : memref<100352x8xf32, #tpu.memory_space<vmem_shared>>)
        %dma_wait3A_677 = arith.constant 21 : i32
        %dma_wait3A_678 = arith.constant 2688 : i32
        %dma_wait3A_679 = arith.constant 0 : i32
        %dma_wait3A_680 = tpu.memref_slice %arg12[%dma_wait3A_678, %dma_wait3A_679] : memref<5120x8xf32, #tpu.memory_space<vmem>> -> memref<128x8xf32, #tpu.memory_space<vmem>>
        %dma_wait3A_681 = arith.constant 0 : i32
        %dma_wait3A_682 = tpu.memref_slice %arg11[%dma_wait3A_677, %dma_wait3A_681] : memref<40x128xi32, #tpu.memory_space<vmem>> -> memref<1x128xi32, #tpu.memory_space<vmem>>
        %dma_wait3A_683 = tpu.memref_squeeze %dma_wait3A_682 : memref<1x128xi32, #tpu.memory_space<vmem>> -> memref<128xi32, #tpu.memory_space<vmem>>
        %dma_wait3A_684 = arith.constant 0 : i32
        %dma_wait3A_685 = arith.constant 0 : i32
        %dma_wait3A_686 = tpu.memref_slice %arg8[%dma_wait3A_684, %dma_wait3A_685] : memref<100352x8xf32, #tpu.memory_space<vmem_shared>> -> memref<100352x8xf32, #tpu.memory_space<vmem_shared>>
        tpu.wait_indirect_dma semaphore(%arg14 : memref<!tpu.dma_semaphore, #tpu.memory_space<semaphore_mem>>) src(%dma_wait3A_680 : memref<128x8xf32, #tpu.memory_space<vmem>>) dst(%dma_wait3A_686 : memref<100352x8xf32, #tpu.memory_space<vmem_shared>>)
        %dma_wait3A_687 = arith.constant 22 : i32
        %dma_wait3A_688 = arith.constant 2816 : i32
        %dma_wait3A_689 = arith.constant 0 : i32
        %dma_wait3A_690 = tpu.memref_slice %arg12[%dma_wait3A_688, %dma_wait3A_689] : memref<5120x8xf32, #tpu.memory_space<vmem>> -> memref<128x8xf32, #tpu.memory_space<vmem>>
        %dma_wait3A_691 = arith.constant 0 : i32
        %dma_wait3A_692 = tpu.memref_slice %arg11[%dma_wait3A_687, %dma_wait3A_691] : memref<40x128xi32, #tpu.memory_space<vmem>> -> memref<1x128xi32, #tpu.memory_space<vmem>>
        %dma_wait3A_693 = tpu.memref_squeeze %dma_wait3A_692 : memref<1x128xi32, #tpu.memory_space<vmem>> -> memref<128xi32, #tpu.memory_space<vmem>>
        %dma_wait3A_694 = arith.constant 0 : i32
        %dma_wait3A_695 = arith.constant 0 : i32
        %dma_wait3A_696 = tpu.memref_slice %arg8[%dma_wait3A_694, %dma_wait3A_695] : memref<100352x8xf32, #tpu.memory_space<vmem_shared>> -> memref<100352x8xf32, #tpu.memory_space<vmem_shared>>
        tpu.wait_indirect_dma semaphore(%arg14 : memref<!tpu.dma_semaphore, #tpu.memory_space<semaphore_mem>>) src(%dma_wait3A_690 : memref<128x8xf32, #tpu.memory_space<vmem>>) dst(%dma_wait3A_696 : memref<100352x8xf32, #tpu.memory_space<vmem_shared>>)
        %dma_wait3A_697 = arith.constant 23 : i32
        %dma_wait3A_698 = arith.constant 2944 : i32
        %dma_wait3A_699 = arith.constant 0 : i32
        %dma_wait3A_700 = tpu.memref_slice %arg12[%dma_wait3A_698, %dma_wait3A_699] : memref<5120x8xf32, #tpu.memory_space<vmem>> -> memref<128x8xf32, #tpu.memory_space<vmem>>
        %dma_wait3A_701 = arith.constant 0 : i32
        %dma_wait3A_702 = tpu.memref_slice %arg11[%dma_wait3A_697, %dma_wait3A_701] : memref<40x128xi32, #tpu.memory_space<vmem>> -> memref<1x128xi32, #tpu.memory_space<vmem>>
        %dma_wait3A_703 = tpu.memref_squeeze %dma_wait3A_702 : memref<1x128xi32, #tpu.memory_space<vmem>> -> memref<128xi32, #tpu.memory_space<vmem>>
        %dma_wait3A_704 = arith.constant 0 : i32
        %dma_wait3A_705 = arith.constant 0 : i32
        %dma_wait3A_706 = tpu.memref_slice %arg8[%dma_wait3A_704, %dma_wait3A_705] : memref<100352x8xf32, #tpu.memory_space<vmem_shared>> -> memref<100352x8xf32, #tpu.memory_space<vmem_shared>>
        tpu.wait_indirect_dma semaphore(%arg14 : memref<!tpu.dma_semaphore, #tpu.memory_space<semaphore_mem>>) src(%dma_wait3A_700 : memref<128x8xf32, #tpu.memory_space<vmem>>) dst(%dma_wait3A_706 : memref<100352x8xf32, #tpu.memory_space<vmem_shared>>)
        %dma_wait3A_707 = arith.constant 24 : i32
        %dma_wait3A_708 = arith.constant 3072 : i32
        %dma_wait3A_709 = arith.constant 0 : i32
        %dma_wait3A_710 = tpu.memref_slice %arg12[%dma_wait3A_708, %dma_wait3A_709] : memref<5120x8xf32, #tpu.memory_space<vmem>> -> memref<128x8xf32, #tpu.memory_space<vmem>>
        %dma_wait3A_711 = arith.constant 0 : i32
        %dma_wait3A_712 = tpu.memref_slice %arg11[%dma_wait3A_707, %dma_wait3A_711] : memref<40x128xi32, #tpu.memory_space<vmem>> -> memref<1x128xi32, #tpu.memory_space<vmem>>
        %dma_wait3A_713 = tpu.memref_squeeze %dma_wait3A_712 : memref<1x128xi32, #tpu.memory_space<vmem>> -> memref<128xi32, #tpu.memory_space<vmem>>
        %dma_wait3A_714 = arith.constant 0 : i32
        %dma_wait3A_715 = arith.constant 0 : i32
        %dma_wait3A_716 = tpu.memref_slice %arg8[%dma_wait3A_714, %dma_wait3A_715] : memref<100352x8xf32, #tpu.memory_space<vmem_shared>> -> memref<100352x8xf32, #tpu.memory_space<vmem_shared>>
        tpu.wait_indirect_dma semaphore(%arg14 : memref<!tpu.dma_semaphore, #tpu.memory_space<semaphore_mem>>) src(%dma_wait3A_710 : memref<128x8xf32, #tpu.memory_space<vmem>>) dst(%dma_wait3A_716 : memref<100352x8xf32, #tpu.memory_space<vmem_shared>>)
        %dma_wait3A_717 = arith.constant 25 : i32
        %dma_wait3A_718 = arith.constant 3200 : i32
        %dma_wait3A_719 = arith.constant 0 : i32
        %dma_wait3A_720 = tpu.memref_slice %arg12[%dma_wait3A_718, %dma_wait3A_719] : memref<5120x8xf32, #tpu.memory_space<vmem>> -> memref<128x8xf32, #tpu.memory_space<vmem>>
        %dma_wait3A_721 = arith.constant 0 : i32
        %dma_wait3A_722 = tpu.memref_slice %arg11[%dma_wait3A_717, %dma_wait3A_721] : memref<40x128xi32, #tpu.memory_space<vmem>> -> memref<1x128xi32, #tpu.memory_space<vmem>>
        %dma_wait3A_723 = tpu.memref_squeeze %dma_wait3A_722 : memref<1x128xi32, #tpu.memory_space<vmem>> -> memref<128xi32, #tpu.memory_space<vmem>>
        %dma_wait3A_724 = arith.constant 0 : i32
        %dma_wait3A_725 = arith.constant 0 : i32
        %dma_wait3A_726 = tpu.memref_slice %arg8[%dma_wait3A_724, %dma_wait3A_725] : memref<100352x8xf32, #tpu.memory_space<vmem_shared>> -> memref<100352x8xf32, #tpu.memory_space<vmem_shared>>
        tpu.wait_indirect_dma semaphore(%arg14 : memref<!tpu.dma_semaphore, #tpu.memory_space<semaphore_mem>>) src(%dma_wait3A_720 : memref<128x8xf32, #tpu.memory_space<vmem>>) dst(%dma_wait3A_726 : memref<100352x8xf32, #tpu.memory_space<vmem_shared>>)
        %dma_wait3A_727 = arith.constant 26 : i32
        %dma_wait3A_728 = arith.constant 3328 : i32
        %dma_wait3A_729 = arith.constant 0 : i32
        %dma_wait3A_730 = tpu.memref_slice %arg12[%dma_wait3A_728, %dma_wait3A_729] : memref<5120x8xf32, #tpu.memory_space<vmem>> -> memref<128x8xf32, #tpu.memory_space<vmem>>
        %dma_wait3A_731 = arith.constant 0 : i32
        %dma_wait3A_732 = tpu.memref_slice %arg11[%dma_wait3A_727, %dma_wait3A_731] : memref<40x128xi32, #tpu.memory_space<vmem>> -> memref<1x128xi32, #tpu.memory_space<vmem>>
        %dma_wait3A_733 = tpu.memref_squeeze %dma_wait3A_732 : memref<1x128xi32, #tpu.memory_space<vmem>> -> memref<128xi32, #tpu.memory_space<vmem>>
        %dma_wait3A_734 = arith.constant 0 : i32
        %dma_wait3A_735 = arith.constant 0 : i32
        %dma_wait3A_736 = tpu.memref_slice %arg8[%dma_wait3A_734, %dma_wait3A_735] : memref<100352x8xf32, #tpu.memory_space<vmem_shared>> -> memref<100352x8xf32, #tpu.memory_space<vmem_shared>>
        tpu.wait_indirect_dma semaphore(%arg14 : memref<!tpu.dma_semaphore, #tpu.memory_space<semaphore_mem>>) src(%dma_wait3A_730 : memref<128x8xf32, #tpu.memory_space<vmem>>) dst(%dma_wait3A_736 : memref<100352x8xf32, #tpu.memory_space<vmem_shared>>)
        %dma_wait3A_737 = arith.constant 27 : i32
        %dma_wait3A_738 = arith.constant 3456 : i32
        %dma_wait3A_739 = arith.constant 0 : i32
        %dma_wait3A_740 = tpu.memref_slice %arg12[%dma_wait3A_738, %dma_wait3A_739] : memref<5120x8xf32, #tpu.memory_space<vmem>> -> memref<128x8xf32, #tpu.memory_space<vmem>>
        %dma_wait3A_741 = arith.constant 0 : i32
        %dma_wait3A_742 = tpu.memref_slice %arg11[%dma_wait3A_737, %dma_wait3A_741] : memref<40x128xi32, #tpu.memory_space<vmem>> -> memref<1x128xi32, #tpu.memory_space<vmem>>
        %dma_wait3A_743 = tpu.memref_squeeze %dma_wait3A_742 : memref<1x128xi32, #tpu.memory_space<vmem>> -> memref<128xi32, #tpu.memory_space<vmem>>
        %dma_wait3A_744 = arith.constant 0 : i32
        %dma_wait3A_745 = arith.constant 0 : i32
        %dma_wait3A_746 = tpu.memref_slice %arg8[%dma_wait3A_744, %dma_wait3A_745] : memref<100352x8xf32, #tpu.memory_space<vmem_shared>> -> memref<100352x8xf32, #tpu.memory_space<vmem_shared>>
        tpu.wait_indirect_dma semaphore(%arg14 : memref<!tpu.dma_semaphore, #tpu.memory_space<semaphore_mem>>) src(%dma_wait3A_740 : memref<128x8xf32, #tpu.memory_space<vmem>>) dst(%dma_wait3A_746 : memref<100352x8xf32, #tpu.memory_space<vmem_shared>>)
        %dma_wait3A_747 = arith.constant 28 : i32
        %dma_wait3A_748 = arith.constant 3584 : i32
        %dma_wait3A_749 = arith.constant 0 : i32
        %dma_wait3A_750 = tpu.memref_slice %arg12[%dma_wait3A_748, %dma_wait3A_749] : memref<5120x8xf32, #tpu.memory_space<vmem>> -> memref<128x8xf32, #tpu.memory_space<vmem>>
        %dma_wait3A_751 = arith.constant 0 : i32
        %dma_wait3A_752 = tpu.memref_slice %arg11[%dma_wait3A_747, %dma_wait3A_751] : memref<40x128xi32, #tpu.memory_space<vmem>> -> memref<1x128xi32, #tpu.memory_space<vmem>>
        %dma_wait3A_753 = tpu.memref_squeeze %dma_wait3A_752 : memref<1x128xi32, #tpu.memory_space<vmem>> -> memref<128xi32, #tpu.memory_space<vmem>>
        %dma_wait3A_754 = arith.constant 0 : i32
        %dma_wait3A_755 = arith.constant 0 : i32
        %dma_wait3A_756 = tpu.memref_slice %arg8[%dma_wait3A_754, %dma_wait3A_755] : memref<100352x8xf32, #tpu.memory_space<vmem_shared>> -> memref<100352x8xf32, #tpu.memory_space<vmem_shared>>
        tpu.wait_indirect_dma semaphore(%arg14 : memref<!tpu.dma_semaphore, #tpu.memory_space<semaphore_mem>>) src(%dma_wait3A_750 : memref<128x8xf32, #tpu.memory_space<vmem>>) dst(%dma_wait3A_756 : memref<100352x8xf32, #tpu.memory_space<vmem_shared>>)
        %dma_wait3A_757 = arith.constant 29 : i32
        %dma_wait3A_758 = arith.constant 3712 : i32
        %dma_wait3A_759 = arith.constant 0 : i32
        %dma_wait3A_760 = tpu.memref_slice %arg12[%dma_wait3A_758, %dma_wait3A_759] : memref<5120x8xf32, #tpu.memory_space<vmem>> -> memref<128x8xf32, #tpu.memory_space<vmem>>
        %dma_wait3A_761 = arith.constant 0 : i32
        %dma_wait3A_762 = tpu.memref_slice %arg11[%dma_wait3A_757, %dma_wait3A_761] : memref<40x128xi32, #tpu.memory_space<vmem>> -> memref<1x128xi32, #tpu.memory_space<vmem>>
        %dma_wait3A_763 = tpu.memref_squeeze %dma_wait3A_762 : memref<1x128xi32, #tpu.memory_space<vmem>> -> memref<128xi32, #tpu.memory_space<vmem>>
        %dma_wait3A_764 = arith.constant 0 : i32
        %dma_wait3A_765 = arith.constant 0 : i32
        %dma_wait3A_766 = tpu.memref_slice %arg8[%dma_wait3A_764, %dma_wait3A_765] : memref<100352x8xf32, #tpu.memory_space<vmem_shared>> -> memref<100352x8xf32, #tpu.memory_space<vmem_shared>>
        tpu.wait_indirect_dma semaphore(%arg14 : memref<!tpu.dma_semaphore, #tpu.memory_space<semaphore_mem>>) src(%dma_wait3A_760 : memref<128x8xf32, #tpu.memory_space<vmem>>) dst(%dma_wait3A_766 : memref<100352x8xf32, #tpu.memory_space<vmem_shared>>)
        %dma_wait3A_767 = arith.constant 30 : i32
        %dma_wait3A_768 = arith.constant 3840 : i32
        %dma_wait3A_769 = arith.constant 0 : i32
        %dma_wait3A_770 = tpu.memref_slice %arg12[%dma_wait3A_768, %dma_wait3A_769] : memref<5120x8xf32, #tpu.memory_space<vmem>> -> memref<128x8xf32, #tpu.memory_space<vmem>>
        %dma_wait3A_771 = arith.constant 0 : i32
        %dma_wait3A_772 = tpu.memref_slice %arg11[%dma_wait3A_767, %dma_wait3A_771] : memref<40x128xi32, #tpu.memory_space<vmem>> -> memref<1x128xi32, #tpu.memory_space<vmem>>
        %dma_wait3A_773 = tpu.memref_squeeze %dma_wait3A_772 : memref<1x128xi32, #tpu.memory_space<vmem>> -> memref<128xi32, #tpu.memory_space<vmem>>
        %dma_wait3A_774 = arith.constant 0 : i32
        %dma_wait3A_775 = arith.constant 0 : i32
        %dma_wait3A_776 = tpu.memref_slice %arg8[%dma_wait3A_774, %dma_wait3A_775] : memref<100352x8xf32, #tpu.memory_space<vmem_shared>> -> memref<100352x8xf32, #tpu.memory_space<vmem_shared>>
        tpu.wait_indirect_dma semaphore(%arg14 : memref<!tpu.dma_semaphore, #tpu.memory_space<semaphore_mem>>) src(%dma_wait3A_770 : memref<128x8xf32, #tpu.memory_space<vmem>>) dst(%dma_wait3A_776 : memref<100352x8xf32, #tpu.memory_space<vmem_shared>>)
        %dma_wait3A_777 = arith.constant 31 : i32
        %dma_wait3A_778 = arith.constant 3968 : i32
        %dma_wait3A_779 = arith.constant 0 : i32
        %dma_wait3A_780 = tpu.memref_slice %arg12[%dma_wait3A_778, %dma_wait3A_779] : memref<5120x8xf32, #tpu.memory_space<vmem>> -> memref<128x8xf32, #tpu.memory_space<vmem>>
        %dma_wait3A_781 = arith.constant 0 : i32
        %dma_wait3A_782 = tpu.memref_slice %arg11[%dma_wait3A_777, %dma_wait3A_781] : memref<40x128xi32, #tpu.memory_space<vmem>> -> memref<1x128xi32, #tpu.memory_space<vmem>>
        %dma_wait3A_783 = tpu.memref_squeeze %dma_wait3A_782 : memref<1x128xi32, #tpu.memory_space<vmem>> -> memref<128xi32, #tpu.memory_space<vmem>>
        %dma_wait3A_784 = arith.constant 0 : i32
        %dma_wait3A_785 = arith.constant 0 : i32
        %dma_wait3A_786 = tpu.memref_slice %arg8[%dma_wait3A_784, %dma_wait3A_785] : memref<100352x8xf32, #tpu.memory_space<vmem_shared>> -> memref<100352x8xf32, #tpu.memory_space<vmem_shared>>
        tpu.wait_indirect_dma semaphore(%arg14 : memref<!tpu.dma_semaphore, #tpu.memory_space<semaphore_mem>>) src(%dma_wait3A_780 : memref<128x8xf32, #tpu.memory_space<vmem>>) dst(%dma_wait3A_786 : memref<100352x8xf32, #tpu.memory_space<vmem_shared>>)
        %dma_wait3A_787 = arith.constant 32 : i32
        %dma_wait3A_788 = arith.constant 4096 : i32
        %dma_wait3A_789 = arith.constant 0 : i32
        %dma_wait3A_790 = tpu.memref_slice %arg12[%dma_wait3A_788, %dma_wait3A_789] : memref<5120x8xf32, #tpu.memory_space<vmem>> -> memref<128x8xf32, #tpu.memory_space<vmem>>
        %dma_wait3A_791 = arith.constant 0 : i32
        %dma_wait3A_792 = tpu.memref_slice %arg11[%dma_wait3A_787, %dma_wait3A_791] : memref<40x128xi32, #tpu.memory_space<vmem>> -> memref<1x128xi32, #tpu.memory_space<vmem>>
        %dma_wait3A_793 = tpu.memref_squeeze %dma_wait3A_792 : memref<1x128xi32, #tpu.memory_space<vmem>> -> memref<128xi32, #tpu.memory_space<vmem>>
        %dma_wait3A_794 = arith.constant 0 : i32
        %dma_wait3A_795 = arith.constant 0 : i32
        %dma_wait3A_796 = tpu.memref_slice %arg8[%dma_wait3A_794, %dma_wait3A_795] : memref<100352x8xf32, #tpu.memory_space<vmem_shared>> -> memref<100352x8xf32, #tpu.memory_space<vmem_shared>>
        tpu.wait_indirect_dma semaphore(%arg14 : memref<!tpu.dma_semaphore, #tpu.memory_space<semaphore_mem>>) src(%dma_wait3A_790 : memref<128x8xf32, #tpu.memory_space<vmem>>) dst(%dma_wait3A_796 : memref<100352x8xf32, #tpu.memory_space<vmem_shared>>)
        %dma_wait3A_797 = arith.constant 33 : i32
        %dma_wait3A_798 = arith.constant 4224 : i32
        %dma_wait3A_799 = arith.constant 0 : i32
        %dma_wait3A_800 = tpu.memref_slice %arg12[%dma_wait3A_798, %dma_wait3A_799] : memref<5120x8xf32, #tpu.memory_space<vmem>> -> memref<128x8xf32, #tpu.memory_space<vmem>>
        %dma_wait3A_801 = arith.constant 0 : i32
        %dma_wait3A_802 = tpu.memref_slice %arg11[%dma_wait3A_797, %dma_wait3A_801] : memref<40x128xi32, #tpu.memory_space<vmem>> -> memref<1x128xi32, #tpu.memory_space<vmem>>
        %dma_wait3A_803 = tpu.memref_squeeze %dma_wait3A_802 : memref<1x128xi32, #tpu.memory_space<vmem>> -> memref<128xi32, #tpu.memory_space<vmem>>
        %dma_wait3A_804 = arith.constant 0 : i32
        %dma_wait3A_805 = arith.constant 0 : i32
        %dma_wait3A_806 = tpu.memref_slice %arg8[%dma_wait3A_804, %dma_wait3A_805] : memref<100352x8xf32, #tpu.memory_space<vmem_shared>> -> memref<100352x8xf32, #tpu.memory_space<vmem_shared>>
        tpu.wait_indirect_dma semaphore(%arg14 : memref<!tpu.dma_semaphore, #tpu.memory_space<semaphore_mem>>) src(%dma_wait3A_800 : memref<128x8xf32, #tpu.memory_space<vmem>>) dst(%dma_wait3A_806 : memref<100352x8xf32, #tpu.memory_space<vmem_shared>>)
        %dma_wait3A_807 = arith.constant 34 : i32
        %dma_wait3A_808 = arith.constant 4352 : i32
        %dma_wait3A_809 = arith.constant 0 : i32
        %dma_wait3A_810 = tpu.memref_slice %arg12[%dma_wait3A_808, %dma_wait3A_809] : memref<5120x8xf32, #tpu.memory_space<vmem>> -> memref<128x8xf32, #tpu.memory_space<vmem>>
        %dma_wait3A_811 = arith.constant 0 : i32
        %dma_wait3A_812 = tpu.memref_slice %arg11[%dma_wait3A_807, %dma_wait3A_811] : memref<40x128xi32, #tpu.memory_space<vmem>> -> memref<1x128xi32, #tpu.memory_space<vmem>>
        %dma_wait3A_813 = tpu.memref_squeeze %dma_wait3A_812 : memref<1x128xi32, #tpu.memory_space<vmem>> -> memref<128xi32, #tpu.memory_space<vmem>>
        %dma_wait3A_814 = arith.constant 0 : i32
        %dma_wait3A_815 = arith.constant 0 : i32
        %dma_wait3A_816 = tpu.memref_slice %arg8[%dma_wait3A_814, %dma_wait3A_815] : memref<100352x8xf32, #tpu.memory_space<vmem_shared>> -> memref<100352x8xf32, #tpu.memory_space<vmem_shared>>
        tpu.wait_indirect_dma semaphore(%arg14 : memref<!tpu.dma_semaphore, #tpu.memory_space<semaphore_mem>>) src(%dma_wait3A_810 : memref<128x8xf32, #tpu.memory_space<vmem>>) dst(%dma_wait3A_816 : memref<100352x8xf32, #tpu.memory_space<vmem_shared>>)
        %dma_wait3A_817 = arith.constant 35 : i32
        %dma_wait3A_818 = arith.constant 4480 : i32
        %dma_wait3A_819 = arith.constant 0 : i32
        %dma_wait3A_820 = tpu.memref_slice %arg12[%dma_wait3A_818, %dma_wait3A_819] : memref<5120x8xf32, #tpu.memory_space<vmem>> -> memref<128x8xf32, #tpu.memory_space<vmem>>
        %dma_wait3A_821 = arith.constant 0 : i32
        %dma_wait3A_822 = tpu.memref_slice %arg11[%dma_wait3A_817, %dma_wait3A_821] : memref<40x128xi32, #tpu.memory_space<vmem>> -> memref<1x128xi32, #tpu.memory_space<vmem>>
        %dma_wait3A_823 = tpu.memref_squeeze %dma_wait3A_822 : memref<1x128xi32, #tpu.memory_space<vmem>> -> memref<128xi32, #tpu.memory_space<vmem>>
        %dma_wait3A_824 = arith.constant 0 : i32
        %dma_wait3A_825 = arith.constant 0 : i32
        %dma_wait3A_826 = tpu.memref_slice %arg8[%dma_wait3A_824, %dma_wait3A_825] : memref<100352x8xf32, #tpu.memory_space<vmem_shared>> -> memref<100352x8xf32, #tpu.memory_space<vmem_shared>>
        tpu.wait_indirect_dma semaphore(%arg14 : memref<!tpu.dma_semaphore, #tpu.memory_space<semaphore_mem>>) src(%dma_wait3A_820 : memref<128x8xf32, #tpu.memory_space<vmem>>) dst(%dma_wait3A_826 : memref<100352x8xf32, #tpu.memory_space<vmem_shared>>)
        %dma_wait3A_827 = arith.constant 36 : i32
        %dma_wait3A_828 = arith.constant 4608 : i32
        %dma_wait3A_829 = arith.constant 0 : i32
        %dma_wait3A_830 = tpu.memref_slice %arg12[%dma_wait3A_828, %dma_wait3A_829] : memref<5120x8xf32, #tpu.memory_space<vmem>> -> memref<128x8xf32, #tpu.memory_space<vmem>>
        %dma_wait3A_831 = arith.constant 0 : i32
        %dma_wait3A_832 = tpu.memref_slice %arg11[%dma_wait3A_827, %dma_wait3A_831] : memref<40x128xi32, #tpu.memory_space<vmem>> -> memref<1x128xi32, #tpu.memory_space<vmem>>
        %dma_wait3A_833 = tpu.memref_squeeze %dma_wait3A_832 : memref<1x128xi32, #tpu.memory_space<vmem>> -> memref<128xi32, #tpu.memory_space<vmem>>
        %dma_wait3A_834 = arith.constant 0 : i32
        %dma_wait3A_835 = arith.constant 0 : i32
        %dma_wait3A_836 = tpu.memref_slice %arg8[%dma_wait3A_834, %dma_wait3A_835] : memref<100352x8xf32, #tpu.memory_space<vmem_shared>> -> memref<100352x8xf32, #tpu.memory_space<vmem_shared>>
        tpu.wait_indirect_dma semaphore(%arg14 : memref<!tpu.dma_semaphore, #tpu.memory_space<semaphore_mem>>) src(%dma_wait3A_830 : memref<128x8xf32, #tpu.memory_space<vmem>>) dst(%dma_wait3A_836 : memref<100352x8xf32, #tpu.memory_space<vmem_shared>>)
        %dma_wait3A_837 = arith.constant 37 : i32
        %dma_wait3A_838 = arith.constant 4736 : i32
        %dma_wait3A_839 = arith.constant 0 : i32
        %dma_wait3A_840 = tpu.memref_slice %arg12[%dma_wait3A_838, %dma_wait3A_839] : memref<5120x8xf32, #tpu.memory_space<vmem>> -> memref<128x8xf32, #tpu.memory_space<vmem>>
        %dma_wait3A_841 = arith.constant 0 : i32
        %dma_wait3A_842 = tpu.memref_slice %arg11[%dma_wait3A_837, %dma_wait3A_841] : memref<40x128xi32, #tpu.memory_space<vmem>> -> memref<1x128xi32, #tpu.memory_space<vmem>>
        %dma_wait3A_843 = tpu.memref_squeeze %dma_wait3A_842 : memref<1x128xi32, #tpu.memory_space<vmem>> -> memref<128xi32, #tpu.memory_space<vmem>>
        %dma_wait3A_844 = arith.constant 0 : i32
        %dma_wait3A_845 = arith.constant 0 : i32
        %dma_wait3A_846 = tpu.memref_slice %arg8[%dma_wait3A_844, %dma_wait3A_845] : memref<100352x8xf32, #tpu.memory_space<vmem_shared>> -> memref<100352x8xf32, #tpu.memory_space<vmem_shared>>
        tpu.wait_indirect_dma semaphore(%arg14 : memref<!tpu.dma_semaphore, #tpu.memory_space<semaphore_mem>>) src(%dma_wait3A_840 : memref<128x8xf32, #tpu.memory_space<vmem>>) dst(%dma_wait3A_846 : memref<100352x8xf32, #tpu.memory_space<vmem_shared>>)
        %dma_wait3A_847 = arith.constant 38 : i32
        %dma_wait3A_848 = arith.constant 4864 : i32
        %dma_wait3A_849 = arith.constant 0 : i32
        %dma_wait3A_850 = tpu.memref_slice %arg12[%dma_wait3A_848, %dma_wait3A_849] : memref<5120x8xf32, #tpu.memory_space<vmem>> -> memref<128x8xf32, #tpu.memory_space<vmem>>
        %dma_wait3A_851 = arith.constant 0 : i32
        %dma_wait3A_852 = tpu.memref_slice %arg11[%dma_wait3A_847, %dma_wait3A_851] : memref<40x128xi32, #tpu.memory_space<vmem>> -> memref<1x128xi32, #tpu.memory_space<vmem>>
        %dma_wait3A_853 = tpu.memref_squeeze %dma_wait3A_852 : memref<1x128xi32, #tpu.memory_space<vmem>> -> memref<128xi32, #tpu.memory_space<vmem>>
        %dma_wait3A_854 = arith.constant 0 : i32
        %dma_wait3A_855 = arith.constant 0 : i32
        %dma_wait3A_856 = tpu.memref_slice %arg8[%dma_wait3A_854, %dma_wait3A_855] : memref<100352x8xf32, #tpu.memory_space<vmem_shared>> -> memref<100352x8xf32, #tpu.memory_space<vmem_shared>>
        tpu.wait_indirect_dma semaphore(%arg14 : memref<!tpu.dma_semaphore, #tpu.memory_space<semaphore_mem>>) src(%dma_wait3A_850 : memref<128x8xf32, #tpu.memory_space<vmem>>) dst(%dma_wait3A_856 : memref<100352x8xf32, #tpu.memory_space<vmem_shared>>)
        %dma_wait3A_857 = arith.constant 39 : i32
        %dma_wait3A_858 = arith.constant 4992 : i32
        %dma_wait3A_859 = arith.constant 0 : i32
        %dma_wait3A_860 = tpu.memref_slice %arg12[%dma_wait3A_858, %dma_wait3A_859] : memref<5120x8xf32, #tpu.memory_space<vmem>> -> memref<128x8xf32, #tpu.memory_space<vmem>>
        %dma_wait3A_861 = arith.constant 0 : i32
        %dma_wait3A_862 = tpu.memref_slice %arg11[%dma_wait3A_857, %dma_wait3A_861] : memref<40x128xi32, #tpu.memory_space<vmem>> -> memref<1x128xi32, #tpu.memory_space<vmem>>
        %dma_wait3A_863 = tpu.memref_squeeze %dma_wait3A_862 : memref<1x128xi32, #tpu.memory_space<vmem>> -> memref<128xi32, #tpu.memory_space<vmem>>
        %dma_wait3A_864 = arith.constant 0 : i32
        %dma_wait3A_865 = arith.constant 0 : i32
        %dma_wait3A_866 = tpu.memref_slice %arg8[%dma_wait3A_864, %dma_wait3A_865] : memref<100352x8xf32, #tpu.memory_space<vmem_shared>> -> memref<100352x8xf32, #tpu.memory_space<vmem_shared>>
        tpu.wait_indirect_dma semaphore(%arg14 : memref<!tpu.dma_semaphore, #tpu.memory_space<semaphore_mem>>) src(%dma_wait3A_860 : memref<128x8xf32, #tpu.memory_space<vmem>>) dst(%dma_wait3A_866 : memref<100352x8xf32, #tpu.memory_space<vmem_shared>>)
      } else {
      }
    }
    %scan3A_39 = arith.constant 40 : i32
    %barrier3A_40 = arith.constant 0 : index
    tpu.barrier barrier_id(%barrier3A_40)
    %mul3A_41 = arith.constant 6272 : i32
    %mul3A_42 = arith.muli %arg1, %mul3A_41 : i32
    %add3A_43 = arith.constant 0 : i32
    %add3A_44 = arith.addi %mul3A_42, %add3A_43 : i32
    "tpu.region"() ({
      %run_scoped3A = tpu.sem_alloc : memref<!tpu.dma_semaphore, #tpu.memory_space<semaphore_mem>>
      %dma_start3A = arith.constant 0 : i32
      %dma_start3A_57 = tpu.memref_slice %arg8[%add3A_44, %dma_start3A] : memref<100352x8xf32, #tpu.memory_space<vmem_shared>> -> memref<1568x8xf32, #tpu.memory_space<vmem_shared>>
      %dma_start3A_58 = arith.constant 0 : i32
      %dma_start3A_59 = tpu.memref_slice %arg8[%add3A_44, %dma_start3A_58] : memref<100352x8xf32, #tpu.memory_space<vmem_shared>> -> memref<1568x8xf32, #tpu.memory_space<vmem_shared>>
      tpu.enqueue_dma source(%dma_start3A_59 : memref<1568x8xf32, #tpu.memory_space<vmem_shared>>) target(%arg13 : memref<1568x8xf32, #tpu.memory_space<vmem>>) target_semaphore(%run_scoped3A : memref<!tpu.dma_semaphore, #tpu.memory_space<semaphore_mem>>)
      %dma_wait3A = arith.constant 0 : i32
      %dma_wait3A_60 = tpu.memref_slice %arg8[%add3A_44, %dma_wait3A] : memref<100352x8xf32, #tpu.memory_space<vmem_shared>> -> memref<1568x8xf32, #tpu.memory_space<vmem_shared>>
      %dma_wait3A_61 = arith.constant 0 : i32
      %dma_wait3A_62 = tpu.memref_slice %arg8[%add3A_44, %dma_wait3A_61] : memref<100352x8xf32, #tpu.memory_space<vmem_shared>> -> memref<1568x8xf32, #tpu.memory_space<vmem_shared>>
      tpu.wait_dma2 semaphore(%run_scoped3A : memref<!tpu.dma_semaphore, #tpu.memory_space<semaphore_mem>>) src(%dma_wait3A_62 : memref<1568x8xf32, #tpu.memory_space<vmem_shared>>) dst(%arg13 : memref<1568x8xf32, #tpu.memory_space<vmem>>)
      tpu.yield
    }) : () -> ()
    "tpu.region"() ({
      %run_scoped3A = tpu.sem_alloc : memref<!tpu.dma_semaphore, #tpu.memory_space<semaphore_mem>>
      %dma_start3A = arith.constant 0 : i32
      %dma_start3A_57 = tpu.memref_slice %arg7[%arg0, %add3A_44, %dma_start3A] : memref<2x100352x8xf32, #tpu.memory_space<hbm>> -> memref<1x1568x8xf32, #tpu.memory_space<hbm>>
      %dma_start3A_58 = tpu.memref_squeeze %dma_start3A_57 : memref<1x1568x8xf32, #tpu.memory_space<hbm>> -> memref<1568x8xf32, #tpu.memory_space<hbm>>
      %dma_start3A_59 = arith.constant 0 : i32
      %dma_start3A_60 = tpu.memref_slice %arg7[%arg0, %add3A_44, %dma_start3A_59] : memref<2x100352x8xf32, #tpu.memory_space<hbm>> -> memref<1x1568x8xf32, #tpu.memory_space<hbm>>
      %dma_start3A_61 = tpu.memref_squeeze %dma_start3A_60 : memref<1x1568x8xf32, #tpu.memory_space<hbm>> -> memref<1568x8xf32, #tpu.memory_space<hbm>>
      tpu.enqueue_dma source(%arg13 : memref<1568x8xf32, #tpu.memory_space<vmem>>) target(%dma_start3A_61 : memref<1568x8xf32, #tpu.memory_space<hbm>>) target_semaphore(%run_scoped3A : memref<!tpu.dma_semaphore, #tpu.memory_space<semaphore_mem>>)
      %dma_wait3A = arith.constant 0 : i32
      %dma_wait3A_62 = tpu.memref_slice %arg7[%arg0, %add3A_44, %dma_wait3A] : memref<2x100352x8xf32, #tpu.memory_space<hbm>> -> memref<1x1568x8xf32, #tpu.memory_space<hbm>>
      %dma_wait3A_63 = tpu.memref_squeeze %dma_wait3A_62 : memref<1x1568x8xf32, #tpu.memory_space<hbm>> -> memref<1568x8xf32, #tpu.memory_space<hbm>>
      %dma_wait3A_64 = arith.constant 0 : i32
      %dma_wait3A_65 = tpu.memref_slice %arg7[%arg0, %add3A_44, %dma_wait3A_64] : memref<2x100352x8xf32, #tpu.memory_space<hbm>> -> memref<1x1568x8xf32, #tpu.memory_space<hbm>>
      %dma_wait3A_66 = tpu.memref_squeeze %dma_wait3A_65 : memref<1x1568x8xf32, #tpu.memory_space<hbm>> -> memref<1568x8xf32, #tpu.memory_space<hbm>>
      tpu.wait_dma2 semaphore(%run_scoped3A : memref<!tpu.dma_semaphore, #tpu.memory_space<semaphore_mem>>) src(%arg13 : memref<1568x8xf32, #tpu.memory_space<vmem>>) dst(%dma_wait3A_66 : memref<1568x8xf32, #tpu.memory_space<hbm>>)
      tpu.yield
    }) : () -> ()
    %mul3A_45 = arith.constant 6272 : i32
    %mul3A_46 = arith.muli %arg1, %mul3A_45 : i32
    %add3A_47 = arith.constant 1568 : i32
    %add3A_48 = arith.addi %mul3A_46, %add3A_47 : i32
    "tpu.region"() ({
      %run_scoped3A = tpu.sem_alloc : memref<!tpu.dma_semaphore, #tpu.memory_space<semaphore_mem>>
      %dma_start3A = arith.constant 0 : i32
      %dma_start3A_57 = tpu.memref_slice %arg8[%add3A_48, %dma_start3A] : memref<100352x8xf32, #tpu.memory_space<vmem_shared>> -> memref<1568x8xf32, #tpu.memory_space<vmem_shared>>
      %dma_start3A_58 = arith.constant 0 : i32
      %dma_start3A_59 = tpu.memref_slice %arg8[%add3A_48, %dma_start3A_58] : memref<100352x8xf32, #tpu.memory_space<vmem_shared>> -> memref<1568x8xf32, #tpu.memory_space<vmem_shared>>
      tpu.enqueue_dma source(%dma_start3A_59 : memref<1568x8xf32, #tpu.memory_space<vmem_shared>>) target(%arg13 : memref<1568x8xf32, #tpu.memory_space<vmem>>) target_semaphore(%run_scoped3A : memref<!tpu.dma_semaphore, #tpu.memory_space<semaphore_mem>>)
      %dma_wait3A = arith.constant 0 : i32
      %dma_wait3A_60 = tpu.memref_slice %arg8[%add3A_48, %dma_wait3A] : memref<100352x8xf32, #tpu.memory_space<vmem_shared>> -> memref<1568x8xf32, #tpu.memory_space<vmem_shared>>
      %dma_wait3A_61 = arith.constant 0 : i32
      %dma_wait3A_62 = tpu.memref_slice %arg8[%add3A_48, %dma_wait3A_61] : memref<100352x8xf32, #tpu.memory_space<vmem_shared>> -> memref<1568x8xf32, #tpu.memory_space<vmem_shared>>
      tpu.wait_dma2 semaphore(%run_scoped3A : memref<!tpu.dma_semaphore, #tpu.memory_space<semaphore_mem>>) src(%dma_wait3A_62 : memref<1568x8xf32, #tpu.memory_space<vmem_shared>>) dst(%arg13 : memref<1568x8xf32, #tpu.memory_space<vmem>>)
      tpu.yield
    }) : () -> ()
    "tpu.region"() ({
      %run_scoped3A = tpu.sem_alloc : memref<!tpu.dma_semaphore, #tpu.memory_space<semaphore_mem>>
      %dma_start3A = arith.constant 0 : i32
      %dma_start3A_57 = tpu.memref_slice %arg7[%arg0, %add3A_48, %dma_start3A] : memref<2x100352x8xf32, #tpu.memory_space<hbm>> -> memref<1x1568x8xf32, #tpu.memory_space<hbm>>
      %dma_start3A_58 = tpu.memref_squeeze %dma_start3A_57 : memref<1x1568x8xf32, #tpu.memory_space<hbm>> -> memref<1568x8xf32, #tpu.memory_space<hbm>>
      %dma_start3A_59 = arith.constant 0 : i32
      %dma_start3A_60 = tpu.memref_slice %arg7[%arg0, %add3A_48, %dma_start3A_59] : memref<2x100352x8xf32, #tpu.memory_space<hbm>> -> memref<1x1568x8xf32, #tpu.memory_space<hbm>>
      %dma_start3A_61 = tpu.memref_squeeze %dma_start3A_60 : memref<1x1568x8xf32, #tpu.memory_space<hbm>> -> memref<1568x8xf32, #tpu.memory_space<hbm>>
      tpu.enqueue_dma source(%arg13 : memref<1568x8xf32, #tpu.memory_space<vmem>>) target(%dma_start3A_61 : memref<1568x8xf32, #tpu.memory_space<hbm>>) target_semaphore(%run_scoped3A : memref<!tpu.dma_semaphore, #tpu.memory_space<semaphore_mem>>)
      %dma_wait3A = arith.constant 0 : i32
      %dma_wait3A_62 = tpu.memref_slice %arg7[%arg0, %add3A_48, %dma_wait3A] : memref<2x100352x8xf32, #tpu.memory_space<hbm>> -> memref<1x1568x8xf32, #tpu.memory_space<hbm>>
      %dma_wait3A_63 = tpu.memref_squeeze %dma_wait3A_62 : memref<1x1568x8xf32, #tpu.memory_space<hbm>> -> memref<1568x8xf32, #tpu.memory_space<hbm>>
      %dma_wait3A_64 = arith.constant 0 : i32
      %dma_wait3A_65 = tpu.memref_slice %arg7[%arg0, %add3A_48, %dma_wait3A_64] : memref<2x100352x8xf32, #tpu.memory_space<hbm>> -> memref<1x1568x8xf32, #tpu.memory_space<hbm>>
      %dma_wait3A_66 = tpu.memref_squeeze %dma_wait3A_65 : memref<1x1568x8xf32, #tpu.memory_space<hbm>> -> memref<1568x8xf32, #tpu.memory_space<hbm>>
      tpu.wait_dma2 semaphore(%run_scoped3A : memref<!tpu.dma_semaphore, #tpu.memory_space<semaphore_mem>>) src(%arg13 : memref<1568x8xf32, #tpu.memory_space<vmem>>) dst(%dma_wait3A_66 : memref<1568x8xf32, #tpu.memory_space<hbm>>)
      tpu.yield
    }) : () -> ()
    %mul3A_49 = arith.constant 6272 : i32
    %mul3A_50 = arith.muli %arg1, %mul3A_49 : i32
    %add3A_51 = arith.constant 3136 : i32
    %add3A_52 = arith.addi %mul3A_50, %add3A_51 : i32
    "tpu.region"() ({
      %run_scoped3A = tpu.sem_alloc : memref<!tpu.dma_semaphore, #tpu.memory_space<semaphore_mem>>
      %dma_start3A = arith.constant 0 : i32
      %dma_start3A_57 = tpu.memref_slice %arg8[%add3A_52, %dma_start3A] : memref<100352x8xf32, #tpu.memory_space<vmem_shared>> -> memref<1568x8xf32, #tpu.memory_space<vmem_shared>>
      %dma_start3A_58 = arith.constant 0 : i32
      %dma_start3A_59 = tpu.memref_slice %arg8[%add3A_52, %dma_start3A_58] : memref<100352x8xf32, #tpu.memory_space<vmem_shared>> -> memref<1568x8xf32, #tpu.memory_space<vmem_shared>>
      tpu.enqueue_dma source(%dma_start3A_59 : memref<1568x8xf32, #tpu.memory_space<vmem_shared>>) target(%arg13 : memref<1568x8xf32, #tpu.memory_space<vmem>>) target_semaphore(%run_scoped3A : memref<!tpu.dma_semaphore, #tpu.memory_space<semaphore_mem>>)
      %dma_wait3A = arith.constant 0 : i32
      %dma_wait3A_60 = tpu.memref_slice %arg8[%add3A_52, %dma_wait3A] : memref<100352x8xf32, #tpu.memory_space<vmem_shared>> -> memref<1568x8xf32, #tpu.memory_space<vmem_shared>>
      %dma_wait3A_61 = arith.constant 0 : i32
      %dma_wait3A_62 = tpu.memref_slice %arg8[%add3A_52, %dma_wait3A_61] : memref<100352x8xf32, #tpu.memory_space<vmem_shared>> -> memref<1568x8xf32, #tpu.memory_space<vmem_shared>>
      tpu.wait_dma2 semaphore(%run_scoped3A : memref<!tpu.dma_semaphore, #tpu.memory_space<semaphore_mem>>) src(%dma_wait3A_62 : memref<1568x8xf32, #tpu.memory_space<vmem_shared>>) dst(%arg13 : memref<1568x8xf32, #tpu.memory_space<vmem>>)
      tpu.yield
    }) : () -> ()
    "tpu.region"() ({
      %run_scoped3A = tpu.sem_alloc : memref<!tpu.dma_semaphore, #tpu.memory_space<semaphore_mem>>
      %dma_start3A = arith.constant 0 : i32
      %dma_start3A_57 = tpu.memref_slice %arg7[%arg0, %add3A_52, %dma_start3A] : memref<2x100352x8xf32, #tpu.memory_space<hbm>> -> memref<1x1568x8xf32, #tpu.memory_space<hbm>>
      %dma_start3A_58 = tpu.memref_squeeze %dma_start3A_57 : memref<1x1568x8xf32, #tpu.memory_space<hbm>> -> memref<1568x8xf32, #tpu.memory_space<hbm>>
      %dma_start3A_59 = arith.constant 0 : i32
      %dma_start3A_60 = tpu.memref_slice %arg7[%arg0, %add3A_52, %dma_start3A_59] : memref<2x100352x8xf32, #tpu.memory_space<hbm>> -> memref<1x1568x8xf32, #tpu.memory_space<hbm>>
      %dma_start3A_61 = tpu.memref_squeeze %dma_start3A_60 : memref<1x1568x8xf32, #tpu.memory_space<hbm>> -> memref<1568x8xf32, #tpu.memory_space<hbm>>
      tpu.enqueue_dma source(%arg13 : memref<1568x8xf32, #tpu.memory_space<vmem>>) target(%dma_start3A_61 : memref<1568x8xf32, #tpu.memory_space<hbm>>) target_semaphore(%run_scoped3A : memref<!tpu.dma_semaphore, #tpu.memory_space<semaphore_mem>>)
      %dma_wait3A = arith.constant 0 : i32
      %dma_wait3A_62 = tpu.memref_slice %arg7[%arg0, %add3A_52, %dma_wait3A] : memref<2x100352x8xf32, #tpu.memory_space<hbm>> -> memref<1x1568x8xf32, #tpu.memory_space<hbm>>
      %dma_wait3A_63 = tpu.memref_squeeze %dma_wait3A_62 : memref<1x1568x8xf32, #tpu.memory_space<hbm>> -> memref<1568x8xf32, #tpu.memory_space<hbm>>
      %dma_wait3A_64 = arith.constant 0 : i32
      %dma_wait3A_65 = tpu.memref_slice %arg7[%arg0, %add3A_52, %dma_wait3A_64] : memref<2x100352x8xf32, #tpu.memory_space<hbm>> -> memref<1x1568x8xf32, #tpu.memory_space<hbm>>
      %dma_wait3A_66 = tpu.memref_squeeze %dma_wait3A_65 : memref<1x1568x8xf32, #tpu.memory_space<hbm>> -> memref<1568x8xf32, #tpu.memory_space<hbm>>
      tpu.wait_dma2 semaphore(%run_scoped3A : memref<!tpu.dma_semaphore, #tpu.memory_space<semaphore_mem>>) src(%arg13 : memref<1568x8xf32, #tpu.memory_space<vmem>>) dst(%dma_wait3A_66 : memref<1568x8xf32, #tpu.memory_space<hbm>>)
      tpu.yield
    }) : () -> ()
    %mul3A_53 = arith.constant 6272 : i32
    %mul3A_54 = arith.muli %arg1, %mul3A_53 : i32
    %add3A_55 = arith.constant 4704 : i32
    %add3A_56 = arith.addi %mul3A_54, %add3A_55 : i32
    "tpu.region"() ({
      %run_scoped3A = tpu.sem_alloc : memref<!tpu.dma_semaphore, #tpu.memory_space<semaphore_mem>>
      %dma_start3A = arith.constant 0 : i32
      %dma_start3A_57 = tpu.memref_slice %arg8[%add3A_56, %dma_start3A] : memref<100352x8xf32, #tpu.memory_space<vmem_shared>> -> memref<1568x8xf32, #tpu.memory_space<vmem_shared>>
      %dma_start3A_58 = arith.constant 0 : i32
      %dma_start3A_59 = tpu.memref_slice %arg8[%add3A_56, %dma_start3A_58] : memref<100352x8xf32, #tpu.memory_space<vmem_shared>> -> memref<1568x8xf32, #tpu.memory_space<vmem_shared>>
      tpu.enqueue_dma source(%dma_start3A_59 : memref<1568x8xf32, #tpu.memory_space<vmem_shared>>) target(%arg13 : memref<1568x8xf32, #tpu.memory_space<vmem>>) target_semaphore(%run_scoped3A : memref<!tpu.dma_semaphore, #tpu.memory_space<semaphore_mem>>)
      %dma_wait3A = arith.constant 0 : i32
      %dma_wait3A_60 = tpu.memref_slice %arg8[%add3A_56, %dma_wait3A] : memref<100352x8xf32, #tpu.memory_space<vmem_shared>> -> memref<1568x8xf32, #tpu.memory_space<vmem_shared>>
      %dma_wait3A_61 = arith.constant 0 : i32
      %dma_wait3A_62 = tpu.memref_slice %arg8[%add3A_56, %dma_wait3A_61] : memref<100352x8xf32, #tpu.memory_space<vmem_shared>> -> memref<1568x8xf32, #tpu.memory_space<vmem_shared>>
      tpu.wait_dma2 semaphore(%run_scoped3A : memref<!tpu.dma_semaphore, #tpu.memory_space<semaphore_mem>>) src(%dma_wait3A_62 : memref<1568x8xf32, #tpu.memory_space<vmem_shared>>) dst(%arg13 : memref<1568x8xf32, #tpu.memory_space<vmem>>)
      tpu.yield
    }) : () -> ()
    "tpu.region"() ({
      %run_scoped3A = tpu.sem_alloc : memref<!tpu.dma_semaphore, #tpu.memory_space<semaphore_mem>>
      %dma_start3A = arith.constant 0 : i32
      %dma_start3A_57 = tpu.memref_slice %arg7[%arg0, %add3A_56, %dma_start3A] : memref<2x100352x8xf32, #tpu.memory_space<hbm>> -> memref<1x1568x8xf32, #tpu.memory_space<hbm>>
      %dma_start3A_58 = tpu.memref_squeeze %dma_start3A_57 : memref<1x1568x8xf32, #tpu.memory_space<hbm>> -> memref<1568x8xf32, #tpu.memory_space<hbm>>
      %dma_start3A_59 = arith.constant 0 : i32
      %dma_start3A_60 = tpu.memref_slice %arg7[%arg0, %add3A_56, %dma_start3A_59] : memref<2x100352x8xf32, #tpu.memory_space<hbm>> -> memref<1x1568x8xf32, #tpu.memory_space<hbm>>
      %dma_start3A_61 = tpu.memref_squeeze %dma_start3A_60 : memref<1x1568x8xf32, #tpu.memory_space<hbm>> -> memref<1568x8xf32, #tpu.memory_space<hbm>>
      tpu.enqueue_dma source(%arg13 : memref<1568x8xf32, #tpu.memory_space<vmem>>) target(%dma_start3A_61 : memref<1568x8xf32, #tpu.memory_space<hbm>>) target_semaphore(%run_scoped3A : memref<!tpu.dma_semaphore, #tpu.memory_space<semaphore_mem>>)
      %dma_wait3A = arith.constant 0 : i32
      %dma_wait3A_62 = tpu.memref_slice %arg7[%arg0, %add3A_56, %dma_wait3A] : memref<2x100352x8xf32, #tpu.memory_space<hbm>> -> memref<1x1568x8xf32, #tpu.memory_space<hbm>>
      %dma_wait3A_63 = tpu.memref_squeeze %dma_wait3A_62 : memref<1x1568x8xf32, #tpu.memory_space<hbm>> -> memref<1568x8xf32, #tpu.memory_space<hbm>>
      %dma_wait3A_64 = arith.constant 0 : i32
      %dma_wait3A_65 = tpu.memref_slice %arg7[%arg0, %add3A_56, %dma_wait3A_64] : memref<2x100352x8xf32, #tpu.memory_space<hbm>> -> memref<1x1568x8xf32, #tpu.memory_space<hbm>>
      %dma_wait3A_66 = tpu.memref_squeeze %dma_wait3A_65 : memref<1x1568x8xf32, #tpu.memory_space<hbm>> -> memref<1568x8xf32, #tpu.memory_space<hbm>>
      tpu.wait_dma2 semaphore(%run_scoped3A : memref<!tpu.dma_semaphore, #tpu.memory_space<semaphore_mem>>) src(%arg13 : memref<1568x8xf32, #tpu.memory_space<vmem>>) dst(%dma_wait3A_66 : memref<1568x8xf32, #tpu.memory_space<hbm>>)
      tpu.yield
    }) : () -> ()
    return
  }
}

module attributes {stable_mosaic.version = 14 : i64} {
  func.func @_combine_body(%arg0: memref<6272x128xf32, #tpu.memory_space<vmem>>, %arg1: memref<6272x128xf32, #tpu.memory_space<vmem>>, %arg2: memref<6272x128xf32, #tpu.memory_space<vmem>>) attributes {dimension_semantics = [], scalar_prefetch = 0 : i64, scratch_operands = 0 : i64, tpu.core_type = #tpu.core_type<tc>} {
    %get3A = arith.constant 0 : index
    %get3A_0 = arith.constant 0 : index
    %get3A_1 = vector.load %arg0[%get3A, %get3A_0] : memref<6272x128xf32, #tpu.memory_space<vmem>>, vector<6272x128xf32>
    %get3A_2 = arith.constant 0 : index
    %get3A_3 = arith.constant 0 : index
    %get3A_4 = vector.load %arg1[%get3A_2, %get3A_3] : memref<6272x128xf32, #tpu.memory_space<vmem>>, vector<6272x128xf32>
    %add3A = arith.addf %get3A_1, %get3A_4 : vector<6272x128xf32>
    %swap3A = arith.constant 0 : index
    %swap3A_5 = arith.constant 0 : index
    %swap3A_6 = vector.load %arg2[%swap3A, %swap3A_5] : memref<6272x128xf32, #tpu.memory_space<vmem>>, vector<6272x128xf32>
    tpu.vector_store %arg2[%swap3A, %swap3A_5], %add3A {strides = array<i32>} : memref<6272x128xf32, #tpu.memory_space<vmem>>, vector<6272x128xf32>,
    return
  }
}

</mosaic_0001>

<sc_bundles>
// kernel: kernel.4.cloned.1.call-start
scs
__scs_entry_jumppad:
0x0: {  	(pc) =	sbr.rel $0x88, $3  }
0x1: {  	(tag) =	ssettag $0x0;
	lr =	simm.s32 $0x1  }
0x2: {  	[smem:$0x3F9E] =	sst lr;
	_ =	strace $0xD0000000  }
0x3: {  	_ = 	snop  }
0x4: {  	_ = 	snop  }
0x5: {  	_ = 	snop  }
0x6: {  	_ = 	snop  }
0x7: {  	_ = 	snop  }
__scs_overlays_trampoline_lowered:
0x8: {  	[smem:$0x3FAD] =	sst s0  }
0x9: {  	[smem:$0x3FAE] =	sst s1  }
0xa: {  	[smem:$0x3FAF] =	sst s2  }
0xb: {  	[smem:$0x3FB0] =	sst s3  }
0xc: {  	[smem:$0x3FB1] =	sst s4  }
0xd: {  	[smem:$0x3FB2] =	sst s5  }
0xe: {  	[smem:$0x3FB3] =	sst s6  }
0xf: {  	[smem:$0x3FB4] =	sst s7  }
0x10: {  	[smem:$0x3FB5] =	sst s8  }
0x11: {  	[smem:$0x3FB6] =	sst s9;
	s0 =	simm.s32 @!p0 $0x0  }
0x12: {  	s1 =	sld [smem:$0x3F9C];
	s0 =	simm.s32 @p0 $0x1  }
0x13: {  	[smem:$0x3FB7] =	sst s0;
	s0 =	simm.s32 @!p1 $0x0  }
0x14: {  	s2 =	sld [smem:$0x3F9B];
	s0 =	simm.s32 @p1 $0x1  }
0x15: {  	[smem:$0x3FB8] =	sst s0;
	s0 =	simm.s32 @!p2 $0x0  }
0x16: {  	s3 =	sld [smem:$0x3FDB];
	s0 =	simm.s32 @p2 $0x1  }
0x17: {  	s4 =	simm.s32 $0x1BF5;
	[smem:$0x3FBA] =	sst s0  }
0x18: {  	s0 =	sld [smem:$0x3F9D];
	_ =	swait.ge [sflag:s4], $0x0  }
0x19: {  	s7 =	sld [smem:$0x3F9E]  }
0x1a: {  	s8 =	sadd.s32 $0xFFFFE003, lr  }
0x1b: {  	s9 =	sadd.s32 $0xFFFFFEF7, lr;
	s5 =	simm.s32 $0xFFFFFFFF;
	p2 =	slt.u32 s8, $0xFFFFF086  }
0x1c: {  	p1 =	slt.u32 s9, $0xF7A;
	s5 =	simm.s32 @!p2 $0x0  }
0x1d: {  	s5 =	simm.s32 @p1 $0x1;
	p0 =	seq.s32 s7, s2  }
0x1e: {  	s7 =	smul.u32 @!p0 $0xF7A, s2;
	p2 =	seq.s32 @!p0 s5, $0x0  }
0x1f: {  	s9 =	smul.u32 $0xF7A, s1;
	s8 =	simm.s32 @!p0 $0x1BF5;
	p2 =	por !p2, p0  }
0x20: {  	[sflag:s8] =	ssyncset.s32 @!p0 $0xFFFFF086;
	s6 =	sadd.s32 @!p0 s3, s7;
	s7 =	simm.s32 @!p0 $0x108  }
0x21: {  	s3 =	sadd.s32 s3, s9;
	s6 =	sadd.s32 @!p0 $0x88, s6;
	s7 =	simm.s32 @p2 $0x1082  }
0x22: {  	[simem:s7], [sflag:s8] =	dma.local @!p0 [hbm:s6], $0xF7A  }
0x23: {  	s9 =	sor.u32 $0xD0000000, s2;
	s6 =	simm.s32 $0x108;
	_ =	swait.ge @!p0 [sflag:s8], $0x0  }
0x24: {  	s3 =	sadd.s32 $0x88, s3;
	s6 =	simm.s32 @!p1 $0x1082;
	[sflag:s4] =	ssyncset.s32 $0xFFFFF086  }
0x25: {  	[simem:s6], [sflag:s4] =	dma.local [hbm:s3], $0xF7A  }
0x26: {  	[smem:$0x3F9E] =	sst s1;
	(tag) =	ssettag s2;
	_ =	strace s9  }
0x27: {  	s1 =	sld [smem:$0x3FAE]  }
0x28: {  	s2 =	sld [smem:$0x3FAF]  }
0x29: {  	s4 =	sld [smem:$0x3FB1]  }
0x2a: {  	p0 =	seq.s32 s5, $0x0;
	s5 =	sld [smem:$0x3FB2]  }
0x2b: {  	s6 =	sld [smem:$0x3FB3]  }
0x2c: {  	s7 =	sld [smem:$0x3FB4]  }
0x2d: {  	s3 =	simm.s32 $0x108;
	s8 =	sld [smem:$0x3FB5]  }
0x2e: {  	s3 =	simm.s32 @!p0 $0x1082;
	s9 =	sld [smem:$0x3FB6]  }
0x2f: {  	lr =	sadd.s32 s0, s3;
	s0 =	sld [smem:$0x3FAD]  }
0x30: {  	s3 =	sld [smem:$0x3FB0]  }
0x31: {  	[smem:$0x3FB9] =	sst s10  }
0x32: {  	s10 =	sld [smem:$0x3FB7];
	_ =	sdelay $0x3  }
0x33: {  	p0 =	seq.s32 s10, $0x1;
	s10 =	sld [smem:$0x3FB9];
	_ =	sdelay $0x3  }
0x34: {  	[smem:$0x3FB9] =	sst s10  }
0x35: {  	s10 =	sld [smem:$0x3FB8];
	_ =	sdelay $0x3  }
0x36: {  	p1 =	seq.s32 s10, $0x1;
	s10 =	sld [smem:$0x3FB9];
	_ =	sdelay $0x3  }
0x37: {  	[smem:$0x3FB9] =	sst s10  }
0x38: {  	s10 =	sld [smem:$0x3FBA]  }
0x39: {  	_ = 	snop;
	(pc) =	sbr.ind lr, $3  }
0x3a: {  	_ = 	snop  }
0x3b: {  	_ = 	snop  }
0x3c: {  	p2 =	seq.s32 s10, $0x1;
	s10 =	sld [smem:$0x3FB9]  }
0x3d: {  	_ =	shalt  }
0x3e: {  	_ =	shalt  }
0x3f: {  	_ =	shalt  }
0x40: {  	_ =	shalt  }
0x41: {  	_ =	shalt  }
0x42: {  	_ =	shalt  }
0x43: {  	_ =	shalt  }
0x44: {  	_ =	shalt  }
0x45: {  	_ =	shalt  }
0x46: {  	_ =	shalt  }
0x47: {  	_ =	shalt  }
0x48: {  	_ =	shalt  }
0x49: {  	_ =	shalt  }
0x4a: {  	_ =	shalt  }
0x4b: {  	_ =	shalt  }
0x4c: {  	_ =	shalt  }
0x4d: {  	_ =	shalt  }
0x4e: {  	_ =	shalt  }
0x4f: {  	_ =	shalt  }
0x50: {  	_ =	shalt  }
0x51: {  	_ =	shalt  }
0x52: {  	_ =	shalt  }
0x53: {  	_ =	shalt  }
0x54: {  	_ =	shalt  }
0x55: {  	_ =	shalt  }
0x56: {  	_ =	shalt  }
0x57: {  	_ =	shalt  }
0x58: {  	_ =	shalt  }
0x59: {  	_ =	shalt  }
0x5a: {  	_ =	shalt  }
0x5b: {  	_ =	shalt  }
0x5c: {  	_ =	shalt  }
0x5d: {  	_ =	shalt  }
0x5e: {  	_ =	shalt  }
0x5f: {  	_ =	shalt  }
0x60: {  	_ =	shalt  }
0x61: {  	_ =	shalt  }
0x62: {  	_ =	shalt  }
0x63: {  	_ =	shalt  }
0x64: {  	_ =	shalt  }
0x65: {  	_ =	shalt  }
0x66: {  	_ =	shalt  }
0x67: {  	_ =	shalt  }
0x68: {  	_ =	shalt  }
0x69: {  	_ =	shalt  }
0x6a: {  	_ =	shalt  }
0x6b: {  	_ =	shalt  }
0x6c: {  	_ =	shalt  }
0x6d: {  	_ =	shalt  }
0x6e: {  	_ =	shalt  }
0x6f: {  	_ =	shalt  }
0x70: {  	_ =	shalt  }
0x71: {  	_ =	shalt  }
0x72: {  	_ =	shalt  }
0x73: {  	_ =	shalt  }
0x74: {  	_ =	shalt  }
0x75: {  	_ =	shalt  }
0x76: {  	_ =	shalt  }
0x77: {  	_ =	shalt  }
0x78: {  	_ =	shalt  }
0x79: {  	_ =	shalt  }
0x7a: {  	_ =	shalt  }
0x7b: {  	_ =	shalt  }
0x7c: {  	_ =	shalt  }
0x7d: {  	_ =	shalt  }
0x7e: {  	_ =	shalt  }
0x7f: {  	_ =	shalt  }
0x80: {  	_ =	shalt  }
0x81: {  	_ =	shalt  }
0x82: {  	_ =	shalt  }
0x83: {  	_ =	shalt  }
0x84: {  	_ =	shalt  }
0x85: {  	_ =	shalt  }
0x86: {  	_ =	shalt  }
0x87: {  	_ =	shalt  }
.Lfunc_end0:
.L_simem_size_0:
called_computation_lowered:
.L_overlay_start_0:
0x88: {  	s2 =	sld [smem:$0x3FD9]  }
0x89: {  	s3 =	sld [smem:$0x3FFE];
	_ =	sdelay $0x1  }
0x8a: {  	s1 =	srdreg.scid  }
0x8b: {  	s0 =	sand.u32 $0x1, s1  }
0x8c: {  	s17 =	sshll.u32 s0, $0xA;
	s2 =	sadd.s32 s3, s2  }
0x8d: {  	s2 =	sadd.s32 s2, s17  }
0x8e: {  	[smem:$0x3FC5] =	sst s2  }
0x8f: {  	_ = 	snop  }
0x90: {  	s2 =	sld [smem:$0x3FC9]  }
0x91: {  	s18 =	sld [smem:$0x3FC7]  }
0x92: {  	s4 =	sld [smem:$0x3FD0];
	(tm) =	ssettm $0x1  }
0x93: {  	s5 =	sld [smem:$0x3FFB];
	_ =	sdelay $0x3  }
0x94: {  	_ =	strace s5  }
0x95: {  	s5 =	sld [smem:$0x3FFC];
	_ =	sdelay $0x3  }
0x96: {  	_ =	strace s5  }
0x97: {  	s5 =	sld [smem:$0x3FFD];
	_ =	sdelay $0x3  }
0x98: {  	_ =	strace s5  }
0x99: {  	_ =	strace $0x8FFFFFFF  }
0x9a: {  	s19 =	sld [smem:$0x3FDB];
	_ =	sdelay $0x1  }
0x9b: {  	s6 =	simm.s32 $_scs_section_size  }
0x9c: {  	s7 =	simm.s32 $_size__tile_overlayer_lowered;
	s8 =	simm.s32 $_tile_overlayer_lowered  }
0x9d: {  	s22 =	simm.s32 $0x1BFF;
	s21 =	sshll.u32 s8, $0x1;
	s5 =	sadd.s32 s6, s19  }
0x9e: {  	s9 =	simm.s32 $0x0;
	s20 =	sshll.u32 s7, $0x1;
	s7 =	sadd.s32 s21, s5  }
0x9f: {  	[timem:s9], [sflag:s22] =	dma.local [hbm:s7], s20  }
0xa0: {  	_ =	swait.ge [sflag:s22], s20  }
0xa1: {  	s6 =	ssub.s32 $0x0, s20;
	[sflag:s22] =	ssyncset.done $0x0  }
0xa2: {  	[sflag:s22] =	ssyncadd.s32 s6;
	_ =	sdelay $0x1  }
0xa3: {  	s23 =	simm.s32 $0x1B8B  }
0xa4: {  	_ =	swait.ge [sflag:s23], $0x1  }
0xa5: {  	[sflag:s23] =	ssyncset.done $0x0  }
0xa6: {  	s25 =	simm.s32 $0x1B8E;
	s24 =	sld [smem:$0x3FFE];
	[sflag:s23] =	ssyncadd.s32 $0xFFFFFFFF  }
0xa7: {  	s26 =	simm.s32 $execute0_lowered;
	[smem:$0x3FD2] =	sst s25  }
0xa8: {  	s7 =	sshll.u32 s26, $0x1;
	_ =	strace $0x80000046;
	[dreg:$0x1] =	wrdreg $0xFFFFFFFF  }
0xa9: {  	s28 =	simm.s32 $_size_execute0_lowered;
	s5 =	sadd.s32 s5, s7;
	[dreg:$0x0] =	wrdreg $0x0  }
0xaa: {  	s7 =	sshll.u32 s28, $0x1;
	[dreg:$0x2] =	wrdreg s5  }
0xab: {  	[dreg:$0x3] =	wrdreg s7  }
0xac: {  	[dreg:$0x4] =	wrdreg $0xC0  }
0xad: {  	_ =	task [dreg:s9], $0x5FFFF  }
0xae: {  	[dreg:$0x1] =	wrdreg $0xFFFFFFFF  }
0xaf: {  	[dreg:$0x0] =	wrdreg $0x60  }
0xb0: {  	[dreg:$0x2] =	wrdreg s2  }
0xb1: {  	[dreg:$0x3] =	wrdreg s24  }
0xb2: {  	[dreg:$0x4] =	wrdreg s18  }
0xb3: {  	[dreg:$0x5] =	wrdreg s4  }
0xb4: {  	[dreg:$0x6] =	wrdreg $0x0  }
0xb5: {  	[dreg:$0x7] =	wrdreg $0x9  }
0xb6: {  	_ =	task.clear_ibuf [dreg:s9], $0x8FFFF;
	_ =	strace $0x90000046  }
0xb7: {  	s29 =	simm.s32 $0x9;
	_ =	strace $0x80000048  }
0xb8: {  	_ =	swait.ge [sflag:s29], $0x1  }
0xb9: {  	[sflag:s29] =	ssyncadd.s32 $0xFFFFFFFF  }
0xba: {  	_ =	strace $0x90000048  }
0xbb: {  	_ =	sfence  }
0xbc: {  	s30 =	sld [smem:$0x0];
	_ =	sdelay $0x2  }
0xbd: {  	s31 =	sshll.u32 s1, $0xD;
	s1 =	sshrl.u32 s1, $0x2  }
0xbe: {  	s3 =	sand.u32 $0x4000, s31;
	s1 =	sadd.s32 s1, s30  }
0xbf: {  	s0 =	sor.u32 s3, s0;
	s1 =	sshll.u32 s1, $0x11  }
0xc0: {  	s0 =	sor.u32 s1, s0  }
0xc1: {  	s0 =	sadd.s32 $0x8F2B, s0  }
0xc2: {  	[sflag:s0] =	ssyncadd.remote.s32 $0x1  }
0xc3: {  	_ =	sfence.sel $0xFFFF  }
0xc4: {  	[dreg:$0x0] =	wrdreg $0xFFFFFFFF;
	(pc) =	sbr.abs _section_cstart, $3  }
0xc5: {  	[dreg:$0x1] =	wrdreg $0xFFFFFFFF  }
0xc6: {  	_ =	task.clear_ibuf [dreg:s9], $0x2FFFF;
	_ =	strace $0x9FFFFFFF  }
0xc7: {  	(tm) =	ssettm $0x7FFFFFFF  }
tec
execute0_lowered:
.L_overlay_start_1:
0x0: {  	(tag) =	ssettag $0x1  }
0x1: {  	s0 =	rddreg [dreg:$0x1]  }
0x2: {  	s4 =	rddreg [dreg:$0x4]  }
0x3: {  	s11 =	simm.s32 $0x0;
	s1 =	srdreg.scid;
	s6 =	stileid.u32  }
0x4: {  	s28 =	simm.s32 $0x1B000;
	s29 =	simm.s32 $0x12580;
	s30 =	simm.s32 $0x1B400  }
0x5: {  	s31 =	simm.s32 $0x12600;
	s15 =	simm.s32 $0x1C000;
	s16 =	simm.s32 $0x12780  }
0x6: {  	s17 =	simm.s32 $0x1C400;
	s18 =	simm.s32 $0x1;
	[smem:$0x7FF] =	sst s11  }
0x7: {  	s7 =	sadd.s32 $0x61A8600, s0;
	s8 =	sand.u32 $0x1, s1;
	s19 =	sadd.s32 $0x600, s0  }
0x8: {  	s2 =	smul.u32 $0xC400, s6;
	s0 =	sadd.s32 $0xE00, s0;
	s10 =	sshll.u32 s6, $0x1  }
0x9: {  	_ =	strace $0x80000047;
	[dreg:$0x6] =	wrdreg s19;
	s20 =	ssub.s32 $0x2, s8  }
0xa: {  	s5 =	smul.u32 $0xC4000, s8;
	s3 =	sshrl.u32 s20, $0x1;
	s21 =	sadd.s32 $0x3100, s2  }
0xb: {  	s12 =	sadd.s32 s2, s4;
	s9 =	sadd.s32 $0x6200, s2;
	s1 =	ssub.s32 s20, s3  }
0xc: {  	s13 =	sadd.s32 s21, s4;
	s22 =	sadd.s32 s2, s5;
	s2 =	sadd.s32 $0x9300, s2  }
0xd: {  	s14 =	sadd.s32 s9, s4;
	s3 =	sadd.s32 s5, s21;
	s23 =	sadd.s32 s5, s9  }
0xe: {  	s20 =	simm.s32 $0x12800;
	s21 =	simm.s32 $0x2;
	s9 =	simm.s32 $0x12700  }
0xf: {  	[dreg:$0x7] =	wrdreg s12;
	s6 =	sshrl.u32 s22, $0x3;
	s19 =	sadd.s32 s2, s4  }
0x10: {  	s2 =	sadd.s32 s5, s2;
	s3 =	sshrl.u32 s3, $0x3;
	[dreg:$0x8] =	wrdreg s13  }
0x11: {  	s24 =	sshrl.u32 s23, $0x3;
	s26 =	smax.u32 s1, $0x1;
	[dreg:$0x9] =	wrdreg s14  }
0x12: {  	s22 =	simm.s32 $0x1C800;
	s5 =	simm.s32 $0x0;
	[dreg:$0xf] =	wrdreg s26  }
0x13: {  	s23 =	simm.s32 $0xD800;
	s1 =	simm.s32 $0x12480;
	[dreg:$0x10] =	wrdreg s5  }
0x14: {  	s6 =	sadd.s32 s0, s6;
	s2 =	sshrl.u32 s2, $0x3;
	[dreg:$0xa] =	wrdreg s19  }
.Ltmp0:
0x15: {  	v1 =	vimm.s32 $0x52741630;
	v2 =	vlaneseq.u32;
	v3 =	vimm.s32 $0x63052741;
	s3 =	sadd.s32 s0, s3;
	[dreg:$0xb] =	wrdreg s6;
	(pc) =	sbr.rel .LBB2_1-.Ltmp0, $4  }
0x16: {  	v4 =	vimm.s32 $0x74163052;
	v0 =	vmul.u32 $0x3, v2;
	v1 =	vunpack.c.l.s4.s8 v1;
	s25 =	sadd.s32 s0, s24;
	s24 =	simm.s32 $0x11400;
	[dreg:$0xc] =	wrdreg s3  }
0x17: {  	v5 =	vunpack.c.l.s4.s8 v3;
	v6 =	vunpack.c.l.s4.s8 v4;
	s26 =	simm.s32 $0x12500;
	[dreg:$0xd] =	wrdreg s25;
	s0 =	sadd.s32 s0, s2  }
0x18: {  	v2 =	vmul.u32 $0x8, v2;
	v1 =	vunpack.c.0.s8.s32 v1;
	v3 =	vadd.s32 $0x1, v0;
	s25 =	simm.s32 $0x80;
	s2 =	simm.s32 $0x1AC00;
	s6 =	simm.s32 $0x12680  }
0x19: {  	v4 =	vunpack.c.0.s8.s32 v5;
	v5 =	vadd.s32 $0x2, v0;
	v6 =	vunpack.c.0.s8.s32 v6;
	s3 =	simm.s32 $0x1BC00;
	[dreg:$0xe] =	wrdreg s0;
	s0 =	simm.s32 $0x1B800  }
.LBB2_7:
0x1a: {  	[bflag:$0x0] =	sbarrier.arrive $0xFFFF  }
0x1b: {  	s12 =	rddreg [dreg:$0x7]  }
0x1c: {  	[tilespmem:s5], [sflag:$0x2] =	stream.linear.gather [spmem:s12], $0x3100, $0x38;
	[tilespmem:$0x1F900] =	vst v63  }
0x1d: {  	_ =	swait.ge [sflag:s21], $0x3100  }
0x1e: {  	s11 =	simm.s32 $0x0;
	[sflag:s21] =	ssyncset.done $0x0  }
0x1f: {  	s22 =	simm.s32 $0x1C800;
	s13 =	rddreg [dreg:$0xb];
	[sflag:s21] =	ssyncadd.s32 $0xFFFFCF00  }
0x20: {  	[hbm4b:s13+s11] =	stream.linear.scatter [tilespmem:s22], [sflag:$0x2], $0x3100, $0x38;
	[tilespmem:$0x1F900] =	vst v63  }
0x21: {  	_ =	swait.ge [sflag:s21], $0x3100  }
0x22: {  	[sflag:s21] =	ssyncset.done $0x0  }
0x23: {  	s13 =	rddreg [dreg:$0x8];
	[sflag:s21] =	ssyncadd.s32 $0xFFFFCF00  }
0x24: {  	[tilespmem:s22], [sflag:$0x2] =	stream.linear.gather [spmem:s13], $0x3100, $0x38;
	[tilespmem:$0x1F900] =	vst v63  }
0x25: {  	_ =	swait.ge [sflag:s21], $0x3100  }
0x26: {  	[sflag:s21] =	ssyncset.done $0x0  }
0x27: {  	s14 =	rddreg [dreg:$0xc];
	[sflag:s21] =	ssyncadd.s32 $0xFFFFCF00  }
0x28: {  	[hbm4b:s14+s11] =	stream.linear.scatter [tilespmem:s22], [sflag:$0x2], $0x3100, $0x38;
	[tilespmem:$0x1F900] =	vst v63  }
0x29: {  	_ =	swait.ge [sflag:s21], $0x3100  }
0x2a: {  	[sflag:s21] =	ssyncset.done $0x0  }
0x2b: {  	s14 =	rddreg [dreg:$0x9];
	[sflag:s21] =	ssyncadd.s32 $0xFFFFCF00  }
0x2c: {  	[tilespmem:s22], [sflag:$0x2] =	stream.linear.gather [spmem:s14], $0x3100, $0x38;
	[tilespmem:$0x1F900] =	vst v63  }
0x2d: {  	_ =	swait.ge [sflag:s21], $0x3100  }
0x2e: {  	[sflag:s21] =	ssyncset.done $0x0  }
0x2f: {  	s19 =	rddreg [dreg:$0xd];
	[sflag:s21] =	ssyncadd.s32 $0xFFFFCF00  }
0x30: {  	[hbm4b:s19+s11] =	stream.linear.scatter [tilespmem:s22], [sflag:$0x2], $0x3100, $0x38;
	[tilespmem:$0x1F900] =	vst v63  }
0x31: {  	_ =	swait.ge [sflag:s21], $0x3100  }
0x32: {  	[sflag:s21] =	ssyncset.done $0x0  }
0x33: {  	s19 =	rddreg [dreg:$0xa];
	[sflag:s21] =	ssyncadd.s32 $0xFFFFCF00  }
0x34: {  	[tilespmem:s22], [sflag:$0x2] =	stream.linear.gather [spmem:s19], $0x3100, $0x38;
	[tilespmem:$0x1F900] =	vst v63  }
0x35: {  	_ =	swait.ge [sflag:s21], $0x3100  }
0x36: {  	[sflag:s21] =	ssyncset.done $0x0  }
0x37: {  	s1 =	rddreg [dreg:$0xe];
	[sflag:s21] =	ssyncadd.s32 $0xFFFFCF00  }
0x38: {  	[hbm4b:s1+s11] =	stream.linear.scatter [tilespmem:s22], [sflag:$0x2], $0x3100, $0x38;
	[tilespmem:$0x1F900] =	vst v63  }
0x39: {  	_ =	swait.ge [sflag:s21], $0x3100  }
0x3a: {  	s1 =	rddreg [dreg:$0x10]  }
0x3b: {  	s5 =	rddreg [dreg:$0xf];
	s1 =	sadd.s32 $0x1, s1  }
0x3c: {  	p0 =	sne.s32 s1, s5  }
.Ltmp1:
0x3d: {  	_ = 	snop;
	(pc) =	sbr.rel @!p0 .LBB2_8-.Ltmp1, $3  }
0x3e: {  	_ =	sdelay $0x1  }
0x3f: {  	[sflag:s21] =	ssyncset.done $0x0  }
0x40: {  	[sflag:s21] =	ssyncadd.s32 $0xFFFFCF00;
	[dreg:$0x10] =	wrdreg s1;
	s1 =	simm.s32 $0x12480  }
.LBB2_1:
0x41: {  	s5 =	rddreg [dreg:$0x3]  }
0x42: {  	[tilespmem:s20], [sflag:$0x2] =	stream.linear.gather [hbm4b:s5+s11], $0xA000, $0x38;
	[tilespmem:$0x1F900] =	vst v63  }
0x43: {  	_ =	swait.ge [sflag:s21], $0xA000  }
0x44: {  	[sflag:s21] =	ssyncset.done $0x0  }
0x45: {  	s5 =	rddreg [dreg:$0x6];
	[sflag:s21] =	ssyncadd.s32 $0xFFFF6000  }
0x46: {  	[tilespmem:s22], [sflag:$0x2] =	stream.linear.gather [hbm4b:s5+s11], $0x3100, $0x38;
	[tilespmem:$0x1F900] =	vst v63  }
0x47: {  	_ =	swait.ge [sflag:s21], $0x3100  }
0x48: {  	[sflag:s21] =	ssyncset.done $0x0  }
0x49: {  	[sflag:s21] =	ssyncadd.s32 $0xFFFFCF00  }
0x4a: {  	[spmem:s12] =	stream.linear.scatter [tilespmem:s22], [sflag:$0x2], $0x3100, $0x38;
	[tilespmem:$0x1F900] =	vst v63  }
0x4b: {  	_ =	swait.ge [sflag:s21], $0x3100  }
0x4c: {  	[sflag:s21] =	ssyncset.done $0x0  }
0x4d: {  	[sflag:s21] =	ssyncadd.s32 $0xFFFFCF00  }
0x4e: {  	[spmem:s13] =	stream.linear.scatter [tilespmem:s22], [sflag:$0x2], $0x3100, $0x38;
	[tilespmem:$0x1F900] =	vst v63  }
0x4f: {  	_ =	swait.ge [sflag:s21], $0x3100  }
0x50: {  	[sflag:s21] =	ssyncset.done $0x0  }
0x51: {  	[sflag:s21] =	ssyncadd.s32 $0xFFFFCF00  }
0x52: {  	[spmem:s14] =	stream.linear.scatter [tilespmem:s22], [sflag:$0x2], $0x3100, $0x38;
	[tilespmem:$0x1F900] =	vst v63  }
0x53: {  	_ =	swait.ge [sflag:s21], $0x3100  }
0x54: {  	[sflag:s21] =	ssyncset.done $0x0  }
0x55: {  	[sflag:s21] =	ssyncadd.s32 $0xFFFFCF00  }
0x56: {  	[spmem:s19] =	stream.linear.scatter [tilespmem:s22], [sflag:$0x2], $0x3100, $0x38;
	[tilespmem:$0x1F900] =	vst v63  }
.Ltmp2:
0x57: {  	_ =	swait.ge [sflag:s21], $0x3100;
	(pc) =	sbr.rel .LBB2_2-.Ltmp2, $4  }
0x58: {  	[sflag:s21] =	ssyncset.done $0x0  }
0x59: {  	[sflag:s21] =	ssyncadd.s32 $0xFFFFCF00  }
0x5a: {  	[bflag:$0x0] =	sbarrier.arrive $0xFFFF  }
0x5b: {  	s5 =	simm.s32 $0x1C800;
	s19 =	simm.s32 $0x0;
	s22 =	simm.s32 $0x11480  }
.LBB2_6:
0x5c: {  	s19 =	sadd.s32 $0x1, s19  }
0x5d: {  	p0 =	sne.s32 s19, $0x28  }
.Ltmp3:
0x5e: {  	_ = 	snop;
	(pc) =	sbr.rel @!p0 .LBB2_7-.Ltmp3, $1  }
0x5f: {  	_ =	sdelay $0x3  }
.LBB2_2:
0x60: {  	s11 =	sshll.u32 s19, $0x5  }
0x61: {  	s11 =	sor.u32 s10, s11  }
0x62: {  	p0 =	sgt.u32 s11, $0x4E1  }
.Ltmp4:
0x63: {  	_ = 	snop;
	(pc) =	sbr.rel @p0 .LBB2_6-.Ltmp4, $1  }
0x64: {  	_ =	sdelay $0x3  }
0x65: {  	s12 =	sor.u32 s8, s11  }
0x66: {  	s13 =	smul.u32 $0x280, s12  }
0x67: {  	s5 =	rddreg [dreg:$0x0]  }
0x68: {  	s11 =	simm.s32 $0xC400;
	s14 =	sadd.s32 s5, s13;
	s5 =	simm.s32 $0x0  }
0x69: {  	[tilespmem:s11], [sflag:$0x2] =	stream.linear.gather [hbm4b:s14+s5], $0x1400, $0x38;
	[tilespmem:$0x1F900] =	vst v63  }
0x6a: {  	s12 =	smul.u32 $0x780, s12;
	_ =	swait.ge [sflag:s21], $0x1400  }
0x6b: {  	[sflag:s21] =	ssyncset.done $0x0  }
0x6c: {  	s12 =	sadd.s32 s7, s12;
	[sflag:s21] =	ssyncadd.s32 $0xFFFFEC00  }
0x6d: {  	[tilespmem:s23], [sflag:$0x2] =	stream.linear.gather [hbm4b:s12+s5], $0x3C00, $0x38;
	[tilespmem:$0x1F900] =	vst v63  }
0x6e: {  	_ =	swait.ge [sflag:s21], $0x3C00  }
0x6f: {  	[sflag:s21] =	ssyncset.done $0x0  }
0x70: {  	v7 =	vadd.s32 s5, v0;
	[sflag:s21] =	ssyncadd.s32 $0xFFFFC400  }
0x71: {  	v7 =	vand.u32 $0xFFF8, v7;
	s14 =	rddreg [dreg:$0x2]  }
0x72: {  	v7 =	vor.u32 v1, v7;
	s12 =	sadd.s32 s14, s13  }
0x73: {  	[tilespmem:s24], [sflag:$0x2] =	stream.linear.gather [hbm4b:s12+s5], $0x1400, $0x38;
	[tilespmem:$0x1F900] =	vst v63  }
0x74: {  	_ =	swait.ge [sflag:s21], $0x1400  }
0x75: {  	[sflag:s21] =	ssyncset.done $0x0  }
0x76: {  	[sflag:s21] =	ssyncadd.s32 $0xFFFFEC00  }
0x77: {  	v7 =	vld.idx.msk [tilespmem:v7+s23+$0x0], $0xffff  }
0x78: {  	v8 =	vmov s5;
	v9 =	vld [tilespmem:s11+$0x0]  }
0x79: {  	v10 =	vadd.s32 s5, v3;
	v8 =	vshll.u32 v8, $0x3  }
0x7a: {  	v10 =	vand.u32 $0xFFF8, v10;
	v8 =	vor.u32 v2, v8  }
0x7b: {  	v10 =	vor.u32 v4, v10;
	_ =	sdelay $0x1  }
0x7c: {  	v7 =	vmul.f32 v7, v9;
	_ =	sdelay $0x1  }
0x7d: {  	[tilespmem:v8+s20+$0x0] =	vst.idx.msk $0xffff, v7  }
0x7e: {  	v7 =	vld.idx.msk [tilespmem:v10+s23+$0x0], $0xffff  }
0x7f: {  	v10 =	vadd.s32 s5, v5  }
0x80: {  	v11 =	vor.u32 $0x1, v8;
	v10 =	vand.u32 $0xFFF8, v10  }
0x81: {  	v10 =	vor.u32 v6, v10;
	_ =	sdelay $0x1  }
0x82: {  	v7 =	vmul.f32 v7, v9;
	_ =	sdelay $0x1  }
0x83: {  	[tilespmem:v11+s20+$0x0] =	vst.idx.msk $0xffff, v7  }
0x84: {  	s12 =	simm.s32 $0x30;
	v10 =	vld.idx.msk [tilespmem:v10+s23+$0x0], $0xffff  }
0x85: {  	v7 =	vadd.s32 s12, v0  }
0x86: {  	v8 =	vor.u32 $0x2, v8;
	v7 =	vand.u32 $0xFFF8, v7  }
0x87: {  	v7 =	vor.u32 v1, v7;
	_ =	sdelay $0x1  }
0x88: {  	s13 =	simm.s32 $0x10;
	s14 =	simm.s32 $0x20;
	v9 =	vmul.f32 v10, v9  }
.LBB2_4:
0x89: {  	p0 =	sne.s32 s14, $0x13F0  }
0x8a: {  	s11 =	sadd.s32 $0x10, s11;
	s5 =	smov.u32 s14;
	s14 =	sadd.s32 $0x10, s14;
	[tilespmem:v8+s20+$0x0] =	vst.idx.msk $0xffff, v9  }
0x8b: {  	v7 =	vld.idx.msk [tilespmem:v7+s23+$0x0], $0xffff  }
0x8c: {  	v8 =	vmov s13;
	s13 =	smov.u32 s5;
	v9 =	vld [tilespmem:s11+$0x0]  }
0x8d: {  	v10 =	vadd.s32 s12, v3;
	v8 =	vshll.u32 v8, $0x3  }
0x8e: {  	v10 =	vand.u32 $0xFFF8, v10;
	v8 =	vor.u32 v2, v8  }
0x8f: {  	v10 =	vor.u32 v4, v10;
	_ =	sdelay $0x1  }
0x90: {  	v7 =	vmul.f32 v7, v9;
	_ =	sdelay $0x1  }
0x91: {  	[tilespmem:v8+s20+$0x0] =	vst.idx.msk $0xffff, v7  }
0x92: {  	v7 =	vld.idx.msk [tilespmem:v10+s23+$0x0], $0xffff;
	_ =	sdelay $0x1  }
0x93: {  	v10 =	vadd.s32 s12, v5  }
0x94: {  	v11 =	vor.u32 $0x1, v8;
	v10 =	vand.u32 $0xFFF8, v10  }
0x95: {  	v10 =	vor.u32 v6, v10;
	_ =	sdelay $0x1  }
0x96: {  	v7 =	vmul.f32 v7, v9;
	_ =	sdelay $0x1  }
0x97: {  	[tilespmem:v11+s20+$0x0] =	vst.idx.msk $0xffff, v7  }
0x98: {  	v10 =	vld.idx.msk [tilespmem:v10+s23+$0x0], $0xffff  }
0x99: {  	s12 =	sadd.s32 $0x30, s12  }
.Ltmp5:
0x9a: {  	v7 =	vadd.s32 s12, v0;
	(pc) =	sbr.rel @p0 .LBB2_4-.Ltmp5, $3  }
0x9b: {  	v8 =	vor.u32 $0x2, v8;
	v7 =	vand.u32 $0xFFF8, v7  }
0x9c: {  	v7 =	vor.u32 v1, v7;
	_ =	sdelay $0x1  }
0x9d: {  	v9 =	vmul.f32 v10, v9  }
0x9e: {  	_ =	sdelay $0x3  }
0x9f: {  	s5 =	sadd.s32 $0x10, s11;
	[tilespmem:v8+s20+$0x0] =	vst.idx.msk $0xffff, v9  }
0xa0: {  	v8 =	vld [tilespmem:s5+$0x0]  }
0xa1: {  	v62 =	vmov s13;
	v7 =	vld.idx.msk [tilespmem:v7+s23+$0x0], $0xffff  }
0xa2: {  	v10 =	vadd.s32 s12, v3;
	v9 =	vshll.u32 v62, $0x3  }
0xa3: {  	v10 =	vand.u32 $0xFFF8, v10;
	v9 =	vor.u32 v2, v9  }
0xa4: {  	v10 =	vor.u32 v4, v10;
	_ =	sdelay $0x1  }
0xa5: {  	v7 =	vmul.f32 v7, v8;
	_ =	sdelay $0x1  }
0xa6: {  	[tilespmem:v9+s20+$0x0] =	vst.idx.msk $0xffff, v7  }
0xa7: {  	v7 =	vld.idx.msk [tilespmem:v10+s23+$0x0], $0xffff  }
0xa8: {  	v63 =	vadd.s32 s12, v5  }
0xa9: {  	v11 =	vor.u32 $0x1, v9;
	v10 =	vand.u32 $0xFFF8, v63  }
0xaa: {  	v10 =	vor.u32 v6, v10;
	_ =	sdelay $0x1  }
0xab: {  	v7 =	vmul.f32 v7, v8;
	_ =	sdelay $0x1  }
0xac: {  	[tilespmem:v11+s20+$0x0] =	vst.idx.msk $0xffff, v7  }
0xad: {  	v7 =	vld.idx.msk [tilespmem:v10+s23+$0x0], $0xffff;
	_ =	sdelay $0x1  }
0xae: {  	v9 =	vor.u32 $0x2, v9;
	_ =	sdelay $0x2  }
0xaf: {  	v7 =	vmul.f32 v7, v8;
	_ =	sdelay $0x1  }
0xb0: {  	[tilespmem:v9+s20+$0x0] =	vst.idx.msk $0xffff, v7  }
0xb1: {  	[spmem:s4] =	stream.indirect.scatter.add.f32 [tilespmem:s20], [sflag:$0x1], $0x8, s24, s25, $0xb8;
	[tilespmem:$0x1F900] =	vst v63  }
0xb2: {  	s12 =	simm.s32 $0x12C00  }
0xb3: {  	[spmem:s4] =	stream.indirect.scatter.add.f32 [tilespmem:s12], [sflag:$0x1], $0x8, s22, s25, $0xb8;
	[tilespmem:$0x1F900] =	vst v63  }
0xb4: {  	s13 =	simm.s32 $0x11500;
	s14 =	simm.s32 $0x13000  }
0xb5: {  	[spmem:s4] =	stream.indirect.scatter.add.f32 [tilespmem:s14], [sflag:$0x1], $0x8, s13, s25, $0xb8;
	[tilespmem:$0x1F900] =	vst v63  }
0xb6: {  	s11 =	simm.s32 $0x11580;
	s12 =	simm.s32 $0x13400  }
0xb7: {  	[spmem:s4] =	stream.indirect.scatter.add.f32 [tilespmem:s12], [sflag:$0x1], $0x8, s11, s25, $0xb8;
	[tilespmem:$0x1F900] =	vst v63  }
0xb8: {  	s13 =	simm.s32 $0x11600;
	s14 =	simm.s32 $0x13800  }
0xb9: {  	[spmem:s4] =	stream.indirect.scatter.add.f32 [tilespmem:s14], [sflag:$0x1], $0x8, s13, s25, $0xb8;
	[tilespmem:$0x1F900] =	vst v63  }
0xba: {  	s11 =	simm.s32 $0x11680;
	s12 =	simm.s32 $0x13C00  }
0xbb: {  	[spmem:s4] =	stream.indirect.scatter.add.f32 [tilespmem:s12], [sflag:$0x1], $0x8, s11, s25, $0xb8;
	[tilespmem:$0x1F900] =	vst v63  }
0xbc: {  	s13 =	simm.s32 $0x11700;
	s14 =	simm.s32 $0x14000  }
0xbd: {  	[spmem:s4] =	stream.indirect.scatter.add.f32 [tilespmem:s14], [sflag:$0x1], $0x8, s13, s25, $0xb8;
	[tilespmem:$0x1F900] =	vst v63  }
0xbe: {  	s11 =	simm.s32 $0x11780;
	s12 =	simm.s32 $0x14400  }
0xbf: {  	[spmem:s4] =	stream.indirect.scatter.add.f32 [tilespmem:s12], [sflag:$0x1], $0x8, s11, s25, $0xb8;
	[tilespmem:$0x1F900] =	vst v63  }
0xc0: {  	s13 =	simm.s32 $0x11800;
	s14 =	simm.s32 $0x14800  }
0xc1: {  	[spmem:s4] =	stream.indirect.scatter.add.f32 [tilespmem:s14], [sflag:$0x1], $0x8, s13, s25, $0xb8;
	[tilespmem:$0x1F900] =	vst v63  }
0xc2: {  	s11 =	simm.s32 $0x11880;
	s12 =	simm.s32 $0x14C00  }
0xc3: {  	[spmem:s4] =	stream.indirect.scatter.add.f32 [tilespmem:s12], [sflag:$0x1], $0x8, s11, s25, $0xb8;
	[tilespmem:$0x1F900] =	vst v63  }
0xc4: {  	s13 =	simm.s32 $0x11900;
	s14 =	simm.s32 $0x15000  }
0xc5: {  	[spmem:s4] =	stream.indirect.scatter.add.f32 [tilespmem:s14], [sflag:$0x1], $0x8, s13, s25, $0xb8;
	[tilespmem:$0x1F900] =	vst v63  }
0xc6: {  	s11 =	simm.s32 $0x11980;
	s12 =	simm.s32 $0x15400  }
0xc7: {  	[spmem:s4] =	stream.indirect.scatter.add.f32 [tilespmem:s12], [sflag:$0x1], $0x8, s11, s25, $0xb8;
	[tilespmem:$0x1F900] =	vst v63  }
0xc8: {  	s13 =	simm.s32 $0x11A00;
	s14 =	simm.s32 $0x15800  }
0xc9: {  	[spmem:s4] =	stream.indirect.scatter.add.f32 [tilespmem:s14], [sflag:$0x1], $0x8, s13, s25, $0xb8;
	[tilespmem:$0x1F900] =	vst v63  }
0xca: {  	s11 =	simm.s32 $0x11A80;
	s12 =	simm.s32 $0x15C00  }
0xcb: {  	[spmem:s4] =	stream.indirect.scatter.add.f32 [tilespmem:s12], [sflag:$0x1], $0x8, s11, s25, $0xb8;
	[tilespmem:$0x1F900] =	vst v63  }
0xcc: {  	s13 =	simm.s32 $0x11B00;
	s14 =	simm.s32 $0x16000  }
0xcd: {  	[spmem:s4] =	stream.indirect.scatter.add.f32 [tilespmem:s14], [sflag:$0x1], $0x8, s13, s25, $0xb8;
	[tilespmem:$0x1F900] =	vst v63  }
0xce: {  	s11 =	simm.s32 $0x11B80;
	s12 =	simm.s32 $0x16400  }
0xcf: {  	[spmem:s4] =	stream.indirect.scatter.add.f32 [tilespmem:s12], [sflag:$0x1], $0x8, s11, s25, $0xb8;
	[tilespmem:$0x1F900] =	vst v63  }
0xd0: {  	s13 =	simm.s32 $0x11C00;
	s14 =	simm.s32 $0x16800  }
0xd1: {  	[spmem:s4] =	stream.indirect.scatter.add.f32 [tilespmem:s14], [sflag:$0x1], $0x8, s13, s25, $0xb8;
	[tilespmem:$0x1F900] =	vst v63  }
0xd2: {  	s11 =	simm.s32 $0x11C80;
	s12 =	simm.s32 $0x16C00  }
0xd3: {  	[spmem:s4] =	stream.indirect.scatter.add.f32 [tilespmem:s12], [sflag:$0x1], $0x8, s11, s25, $0xb8;
	[tilespmem:$0x1F900] =	vst v63  }
0xd4: {  	s13 =	simm.s32 $0x11D00;
	s14 =	simm.s32 $0x17000  }
0xd5: {  	[spmem:s4] =	stream.indirect.scatter.add.f32 [tilespmem:s14], [sflag:$0x1], $0x8, s13, s25, $0xb8;
	[tilespmem:$0x1F900] =	vst v63  }
0xd6: {  	s11 =	simm.s32 $0x11D80;
	s12 =	simm.s32 $0x17400  }
0xd7: {  	[spmem:s4] =	stream.indirect.scatter.add.f32 [tilespmem:s12], [sflag:$0x1], $0x8, s11, s25, $0xb8;
	[tilespmem:$0x1F900] =	vst v63  }
0xd8: {  	s13 =	simm.s32 $0x11E00;
	s14 =	simm.s32 $0x17800  }
0xd9: {  	[spmem:s4] =	stream.indirect.scatter.add.f32 [tilespmem:s14], [sflag:$0x1], $0x8, s13, s25, $0xb8;
	[tilespmem:$0x1F900] =	vst v63  }
0xda: {  	s11 =	simm.s32 $0x11E80;
	s12 =	simm.s32 $0x17C00  }
0xdb: {  	[spmem:s4] =	stream.indirect.scatter.add.f32 [tilespmem:s12], [sflag:$0x1], $0x8, s11, s25, $0xb8;
	[tilespmem:$0x1F900] =	vst v63  }
0xdc: {  	s13 =	simm.s32 $0x11F00;
	s14 =	simm.s32 $0x18000  }
0xdd: {  	[spmem:s4] =	stream.indirect.scatter.add.f32 [tilespmem:s14], [sflag:$0x1], $0x8, s13, s25, $0xb8;
	[tilespmem:$0x1F900] =	vst v63  }
0xde: {  	s11 =	simm.s32 $0x11F80;
	s12 =	simm.s32 $0x18400  }
0xdf: {  	[spmem:s4] =	stream.indirect.scatter.add.f32 [tilespmem:s12], [sflag:$0x1], $0x8, s11, s25, $0xb8;
	[tilespmem:$0x1F900] =	vst v63  }
0xe0: {  	s13 =	simm.s32 $0x12000;
	s14 =	simm.s32 $0x18800  }
0xe1: {  	[spmem:s4] =	stream.indirect.scatter.add.f32 [tilespmem:s14], [sflag:$0x1], $0x8, s13, s25, $0xb8;
	[tilespmem:$0x1F900] =	vst v63  }
0xe2: {  	s11 =	simm.s32 $0x12080;
	s12 =	simm.s32 $0x18C00  }
0xe3: {  	[spmem:s4] =	stream.indirect.scatter.add.f32 [tilespmem:s12], [sflag:$0x1], $0x8, s11, s25, $0xb8;
	[tilespmem:$0x1F900] =	vst v63  }
0xe4: {  	s13 =	simm.s32 $0x12100;
	s14 =	simm.s32 $0x19000  }
0xe5: {  	[spmem:s4] =	stream.indirect.scatter.add.f32 [tilespmem:s14], [sflag:$0x1], $0x8, s13, s25, $0xb8;
	[tilespmem:$0x1F900] =	vst v63  }
0xe6: {  	s11 =	simm.s32 $0x12180;
	s12 =	simm.s32 $0x19400  }
0xe7: {  	[spmem:s4] =	stream.indirect.scatter.add.f32 [tilespmem:s12], [sflag:$0x1], $0x8, s11, s25, $0xb8;
	[tilespmem:$0x1F900] =	vst v63  }
0xe8: {  	s13 =	simm.s32 $0x12200;
	s14 =	simm.s32 $0x19800  }
0xe9: {  	[spmem:s4] =	stream.indirect.scatter.add.f32 [tilespmem:s14], [sflag:$0x1], $0x8, s13, s25, $0xb8;
	[tilespmem:$0x1F900] =	vst v63  }
0xea: {  	s11 =	simm.s32 $0x12280;
	s12 =	simm.s32 $0x19C00  }
0xeb: {  	[spmem:s4] =	stream.indirect.scatter.add.f32 [tilespmem:s12], [sflag:$0x1], $0x8, s11, s25, $0xb8;
	[tilespmem:$0x1F900] =	vst v63  }
0xec: {  	s13 =	simm.s32 $0x12300;
	s14 =	simm.s32 $0x1A000  }
0xed: {  	[spmem:s4] =	stream.indirect.scatter.add.f32 [tilespmem:s14], [sflag:$0x1], $0x8, s13, s25, $0xb8;
	[tilespmem:$0x1F900] =	vst v63  }
0xee: {  	s11 =	simm.s32 $0x12380;
	s12 =	simm.s32 $0x1A400  }
0xef: {  	[spmem:s4] =	stream.indirect.scatter.add.f32 [tilespmem:s12], [sflag:$0x1], $0x8, s11, s25, $0xb8;
	[tilespmem:$0x1F900] =	vst v63  }
0xf0: {  	s13 =	simm.s32 $0x12400;
	s14 =	simm.s32 $0x1A800  }
0xf1: {  	[spmem:s4] =	stream.indirect.scatter.add.f32 [tilespmem:s14], [sflag:$0x1], $0x8, s13, s25, $0xb8;
	[tilespmem:$0x1F900] =	vst v63  }
0xf2: {  	_ = 	snop  }
0xf3: {  	[spmem:s4] =	stream.indirect.scatter.add.f32 [tilespmem:s2], [sflag:$0x1], $0x8, s1, s25, $0xb8;
	[tilespmem:$0x1F900] =	vst v63  }
0xf4: {  	_ = 	snop  }
0xf5: {  	[spmem:s4] =	stream.indirect.scatter.add.f32 [tilespmem:s28], [sflag:$0x1], $0x8, s26, s25, $0xb8;
	[tilespmem:$0x1F900] =	vst v63  }
0xf6: {  	_ = 	snop  }
0xf7: {  	[spmem:s4] =	stream.indirect.scatter.add.f32 [tilespmem:s30], [sflag:$0x1], $0x8, s29, s25, $0xb8;
	[tilespmem:$0x1F900] =	vst v63  }
0xf8: {  	_ = 	snop  }
0xf9: {  	[spmem:s4] =	stream.indirect.scatter.add.f32 [tilespmem:s0], [sflag:$0x1], $0x8, s31, s25, $0xb8;
	[tilespmem:$0x1F900] =	vst v63  }
0xfa: {  	_ = 	snop  }
0xfb: {  	[spmem:s4] =	stream.indirect.scatter.add.f32 [tilespmem:s3], [sflag:$0x1], $0x8, s6, s25, $0xb8;
	[tilespmem:$0x1F900] =	vst v63  }
0xfc: {  	_ = 	snop  }
0xfd: {  	[spmem:s4] =	stream.indirect.scatter.add.f32 [tilespmem:s15], [sflag:$0x1], $0x8, s9, s25, $0xb8;
	[tilespmem:$0x1F900] =	vst v63  }
0xfe: {  	_ = 	snop  }
0xff: {  	[spmem:s4] =	stream.indirect.scatter.add.f32 [tilespmem:s17], [sflag:$0x1], $0x8, s16, s25, $0xb8;
	[tilespmem:$0x1F900] =	vst v63  }
0x100: {  	_ =	swait.ge [sflag:s18], $0x400  }
0x101: {  	[sflag:s18] =	ssyncset.done $0x0  }
0x102: {  	[sflag:s18] =	ssyncadd.s32 $0xFFFFFC00  }
0x103: {  	_ =	swait.ge [sflag:s18], $0x400  }
0x104: {  	[sflag:s18] =	ssyncset.done $0x0  }
0x105: {  	[sflag:s18] =	ssyncadd.s32 $0xFFFFFC00  }
0x106: {  	_ =	swait.ge [sflag:s18], $0x400  }
0x107: {  	[sflag:s18] =	ssyncset.done $0x0  }
0x108: {  	[sflag:s18] =	ssyncadd.s32 $0xFFFFFC00  }
0x109: {  	_ =	swait.ge [sflag:s18], $0x400  }
0x10a: {  	[sflag:s18] =	ssyncset.done $0x0  }
0x10b: {  	[sflag:s18] =	ssyncadd.s32 $0xFFFFFC00  }
0x10c: {  	_ =	swait.ge [sflag:s18], $0x400  }
0x10d: {  	[sflag:s18] =	ssyncset.done $0x0  }
0x10e: {  	[sflag:s18] =	ssyncadd.s32 $0xFFFFFC00  }
0x10f: {  	_ =	swait.ge [sflag:s18], $0x400  }
0x110: {  	[sflag:s18] =	ssyncset.done $0x0  }
0x111: {  	[sflag:s18] =	ssyncadd.s32 $0xFFFFFC00  }
0x112: {  	_ =	swait.ge [sflag:s18], $0x400  }
0x113: {  	[sflag:s18] =	ssyncset.done $0x0  }
0x114: {  	[sflag:s18] =	ssyncadd.s32 $0xFFFFFC00  }
0x115: {  	_ =	swait.ge [sflag:s18], $0x400  }
0x116: {  	[sflag:s18] =	ssyncset.done $0x0  }
0x117: {  	[sflag:s18] =	ssyncadd.s32 $0xFFFFFC00  }
0x118: {  	_ =	swait.ge [sflag:s18], $0x400  }
0x119: {  	[sflag:s18] =	ssyncset.done $0x0  }
0x11a: {  	[sflag:s18] =	ssyncadd.s32 $0xFFFFFC00  }
0x11b: {  	_ =	swait.ge [sflag:s18], $0x400  }
0x11c: {  	[sflag:s18] =	ssyncset.done $0x0  }
0x11d: {  	[sflag:s18] =	ssyncadd.s32 $0xFFFFFC00  }
0x11e: {  	_ =	swait.ge [sflag:s18], $0x400  }
0x11f: {  	[sflag:s18] =	ssyncset.done $0x0  }
0x120: {  	[sflag:s18] =	ssyncadd.s32 $0xFFFFFC00  }
0x121: {  	_ =	swait.ge [sflag:s18], $0x400  }
0x122: {  	[sflag:s18] =	ssyncset.done $0x0  }
0x123: {  	[sflag:s18] =	ssyncadd.s32 $0xFFFFFC00  }
0x124: {  	_ =	swait.ge [sflag:s18], $0x400  }
0x125: {  	[sflag:s18] =	ssyncset.done $0x0  }
0x126: {  	[sflag:s18] =	ssyncadd.s32 $0xFFFFFC00  }
0x127: {  	_ =	swait.ge [sflag:s18], $0x400  }
0x128: {  	[sflag:s18] =	ssyncset.done $0x0  }
0x129: {  	[sflag:s18] =	ssyncadd.s32 $0xFFFFFC00  }
0x12a: {  	_ =	swait.ge [sflag:s18], $0x400  }
0x12b: {  	[sflag:s18] =	ssyncset.done $0x0  }
0x12c: {  	[sflag:s18] =	ssyncadd.s32 $0xFFFFFC00  }
0x12d: {  	_ =	swait.ge [sflag:s18], $0x400  }
0x12e: {  	[sflag:s18] =	ssyncset.done $0x0  }
0x12f: {  	[sflag:s18] =	ssyncadd.s32 $0xFFFFFC00  }
0x130: {  	_ =	swait.ge [sflag:s18], $0x400  }
0x131: {  	[sflag:s18] =	ssyncset.done $0x0  }
0x132: {  	[sflag:s18] =	ssyncadd.s32 $0xFFFFFC00  }
0x133: {  	_ =	swait.ge [sflag:s18], $0x400  }
0x134: {  	[sflag:s18] =	ssyncset.done $0x0  }
0x135: {  	[sflag:s18] =	ssyncadd.s32 $0xFFFFFC00  }
0x136: {  	_ =	swait.ge [sflag:s18], $0x400  }
0x137: {  	[sflag:s18] =	ssyncset.done $0x0  }
0x138: {  	[sflag:s18] =	ssyncadd.s32 $0xFFFFFC00  }
0x139: {  	_ =	swait.ge [sflag:s18], $0x400  }
0x13a: {  	[sflag:s18] =	ssyncset.done $0x0  }
0x13b: {  	[sflag:s18] =	ssyncadd.s32 $0xFFFFFC00  }
0x13c: {  	_ =	swait.ge [sflag:s18], $0x400  }
0x13d: {  	[sflag:s18] =	ssyncset.done $0x0  }
0x13e: {  	[sflag:s18] =	ssyncadd.s32 $0xFFFFFC00  }
0x13f: {  	_ =	swait.ge [sflag:s18], $0x400  }
0x140: {  	[sflag:s18] =	ssyncset.done $0x0  }
0x141: {  	[sflag:s18] =	ssyncadd.s32 $0xFFFFFC00  }
0x142: {  	_ =	swait.ge [sflag:s18], $0x400  }
0x143: {  	[sflag:s18] =	ssyncset.done $0x0  }
0x144: {  	[sflag:s18] =	ssyncadd.s32 $0xFFFFFC00  }
0x145: {  	_ =	swait.ge [sflag:s18], $0x400  }
0x146: {  	[sflag:s18] =	ssyncset.done $0x0  }
0x147: {  	[sflag:s18] =	ssyncadd.s32 $0xFFFFFC00  }
0x148: {  	_ =	swait.ge [sflag:s18], $0x400  }
0x149: {  	[sflag:s18] =	ssyncset.done $0x0  }
0x14a: {  	[sflag:s18] =	ssyncadd.s32 $0xFFFFFC00  }
0x14b: {  	_ =	swait.ge [sflag:s18], $0x400  }
0x14c: {  	[sflag:s18] =	ssyncset.done $0x0  }
0x14d: {  	[sflag:s18] =	ssyncadd.s32 $0xFFFFFC00  }
0x14e: {  	_ =	swait.ge [sflag:s18], $0x400  }
0x14f: {  	[sflag:s18] =	ssyncset.done $0x0  }
0x150: {  	[sflag:s18] =	ssyncadd.s32 $0xFFFFFC00  }
0x151: {  	_ =	swait.ge [sflag:s18], $0x400  }
0x152: {  	[sflag:s18] =	ssyncset.done $0x0  }
0x153: {  	[sflag:s18] =	ssyncadd.s32 $0xFFFFFC00  }
0x154: {  	_ =	swait.ge [sflag:s18], $0x400  }
0x155: {  	[sflag:s18] =	ssyncset.done $0x0  }
0x156: {  	[sflag:s18] =	ssyncadd.s32 $0xFFFFFC00  }
0x157: {  	_ =	swait.ge [sflag:s18], $0x400  }
0x158: {  	[sflag:s18] =	ssyncset.done $0x0  }
0x159: {  	[sflag:s18] =	ssyncadd.s32 $0xFFFFFC00  }
0x15a: {  	_ =	swait.ge [sflag:s18], $0x400  }
0x15b: {  	[sflag:s18] =	ssyncset.done $0x0  }
0x15c: {  	[sflag:s18] =	ssyncadd.s32 $0xFFFFFC00  }
0x15d: {  	_ =	swait.ge [sflag:s18], $0x400  }
0x15e: {  	[sflag:s18] =	ssyncset.done $0x0  }
0x15f: {  	[sflag:s18] =	ssyncadd.s32 $0xFFFFFC00  }
0x160: {  	_ =	swait.ge [sflag:s18], $0x400  }
0x161: {  	[sflag:s18] =	ssyncset.done $0x0  }
0x162: {  	[sflag:s18] =	ssyncadd.s32 $0xFFFFFC00  }
0x163: {  	_ =	swait.ge [sflag:s18], $0x400  }
0x164: {  	[sflag:s18] =	ssyncset.done $0x0  }
0x165: {  	[sflag:s18] =	ssyncadd.s32 $0xFFFFFC00  }
0x166: {  	_ =	swait.ge [sflag:s18], $0x400  }
0x167: {  	[sflag:s18] =	ssyncset.done $0x0  }
0x168: {  	[sflag:s18] =	ssyncadd.s32 $0xFFFFFC00  }
0x169: {  	_ =	swait.ge [sflag:s18], $0x400  }
0x16a: {  	[sflag:s18] =	ssyncset.done $0x0  }
0x16b: {  	[sflag:s18] =	ssyncadd.s32 $0xFFFFFC00  }
0x16c: {  	_ =	swait.ge [sflag:s18], $0x400  }
0x16d: {  	[sflag:s18] =	ssyncset.done $0x0  }
0x16e: {  	[sflag:s18] =	ssyncadd.s32 $0xFFFFFC00  }
0x16f: {  	_ =	swait.ge [sflag:s18], $0x400  }
0x170: {  	[sflag:s18] =	ssyncset.done $0x0  }
0x171: {  	[sflag:s18] =	ssyncadd.s32 $0xFFFFFC00  }
0x172: {  	_ =	swait.ge [sflag:s18], $0x400  }
.Ltmp6:
0x173: {  	[sflag:s18] =	ssyncset.done $0x0;
	(pc) =	sbr.rel .LBB2_6-.Ltmp6, $4  }
0x174: {  	[sflag:s18] =	ssyncadd.s32 $0xFFFFFC00  }
0x175: {  	_ =	swait.ge [sflag:s18], $0x400  }
0x176: {  	[sflag:s18] =	ssyncset.done $0x0  }
0x177: {  	s5 =	simm.s32 $0x1C800;
	[sflag:s18] =	ssyncadd.s32 $0xFFFFFC00  }
.LBB2_8:
0x178: {  	_ =	sfence.sel $0x180000  }
0x179: {  	[bflag:$0x0] =	sbarrier.arrive $0xFFFF  }
0x17a: {  	_ =	strace $0x90000047  }
0x17b: {  	s0 =	stileid.u32;
	[bflag:$0x2] =	sbarrier.arrive $0xFFFF  }
0x17c: {  	p0 =	sne.s32 s0, $0x0;
	s0 =	rddreg [dreg:$0x5]  }
0x17d: {  	s0 =	sadd.s32 @!p0 $0x100000, s0  }
0x17e: {  	[sflag:s0] =	ssyncadd.tile.s32 @!p0 $0x1;
	_ =	shalt  }
.Lfunc_end2:
_tile_overlayer_lowered:
.L_overlay_start_2:
0x17f: {  	(tag) =	ssettag $0x2  }
0x180: {  	s0 =	rddreg [dreg:$0x0];
	s2 =	stileid.u32  }
0x181: {  	s1 =	rddreg [dreg:$0x1];
	p0 =	sne.s32 s2, $0x0  }
0x182: {  	s3 =	rddreg [dreg:$0x2];
	[bflag:$0x3] =	sbarrier.arrive $0xFFFF;
	s2 =	simm.s32 @!p0 $0x1C02  }
0x183: {  	[timem:s3], [sflag:s2] =	dma.local @!p0 [hbm:s0], s1  }
0x184: {  	s0 =	simm.s32 @!p0 $0x2  }
0x185: {  	_ =	swait.ge @!p0 [sflag:s0], s1  }
0x186: {  	s1 =	ssub.s32 @!p0 $0x0, s1;
	[sflag:s0] =	ssyncset.done @!p0 $0x0  }
0x187: {  	[sflag:s0] =	ssyncadd.s32 @!p0 s1  }
0x188: {  	[bflag:$0x3] =	sbarrier.arrive $0xFFFF  }
0x189: {  	_ =	shalt  }

</sc_bundles>
